<compile_context>
chip_gen: v7x
topology: tpu7x:2x2x1
jax: 0.10.2.dev20260603
libtpu: 0.0.44.dev20260713+nightly
codegen_flags: <defaults>
</compile_context>

<pallas_src>
import functools

import jax
import jax.numpy as jnp
from jax.experimental import pallas as pl
from jax.experimental.pallas import tpu as pltpu
from jax.experimental.pallas import tpu_sc as plsc

T, D, H, E, TOPK = 256, 1024, 512, 64, 2
S = T * TOPK
TILE = 32
NT = 78
NTE = 80
ROWS = 2560
F32 = jnp.float32


def _routing_body(eflat_ref, pflat_ref, pos_ref, row_tok_ref, prob2d_ref,
                  te_ref):
    eflat = eflat_ref[...]
    pflat = pflat_ref[...]
    iota_e = jax.lax.broadcasted_iota(jnp.int32, (1, E), 1)
    onehot = (eflat == iota_e).astype(F32)
    r_i = jax.lax.broadcasted_iota(jnp.int32, (S, S), 0)
    c_i = jax.lax.broadcasted_iota(jnp.int32, (S, S), 1)
    lts = (r_i >= c_i).astype(F32)
    cum = jnp.dot(lts, onehot, preferred_element_type=F32)
    rank = jnp.sum(onehot * (cum - 1.0), axis=1, keepdims=True)
    counts = jnp.sum(onehot, axis=0, keepdims=True)
    padded = jnp.floor((counts + (TILE - 1)) / TILE) * TILE
    r64 = jax.lax.broadcasted_iota(jnp.int32, (E, E), 0)
    c64 = jax.lax.broadcasted_iota(jnp.int32, (E, E), 1)
    mstrict = (r64 < c64).astype(F32)
    start = jnp.dot(padded, mstrict, preferred_element_type=F32, precision=jax.lax.Precision.HIGHEST)
    pos_f = jnp.sum(onehot * start, axis=1, keepdims=True) + rank
    eye = (r_i == c_i).astype(F32)
    pos_t = jnp.dot(jnp.ones((1, S), F32), eye * pos_f,
                    preferred_element_type=F32, precision=jax.lax.Precision.HIGHEST)
    rr = jax.lax.broadcasted_iota(jnp.int32, (ROWS, 1), 0).astype(F32)
    perm = (rr == pos_t).astype(F32)
    tok = (jax.lax.broadcasted_iota(jnp.int32, (S, 1), 0) // TOPK).astype(F32)
    rhs = jnp.concatenate([tok, pflat, jnp.ones((S, 1), F32)], axis=1)
    rowinfo = jnp.dot(perm, rhs, preferred_element_type=F32,
                      precision=jax.lax.Precision.HIGHEST)
    row_tok = rowinfo[:, 0:1]
    row_prob = rowinfo[:, 1:2]
    valid = rowinfo[:, 2:3]
    rr_mod = rr - jnp.floor(rr / T) * T
    row_tok = jnp.where(valid > 0.5, row_tok, rr_mod)
    ti = jax.lax.broadcasted_iota(jnp.int32, (NTE, 1), 0).astype(F32) * TILE
    te_hit = ((ti >= start) & (ti < start + padded)).astype(F32)
    tile_expert = jnp.sum(te_hit * iota_e.astype(F32), axis=1, keepdims=True)
    tile_hit = jnp.sum(te_hit, axis=1, keepdims=True)
    tile_expert = jnp.where(tile_hit > 0.5, tile_expert,
                            jnp.max(tile_expert))

    pos_ref[...] = pos_f.astype(jnp.int32)
    row_tok_ref[...] = row_tok.astype(jnp.int32)
    prob2d_ref[...] = jnp.broadcast_to(row_prob, (ROWS, 128))
    te_ref[...] = tile_expert.astype(jnp.int32)


def _routing(eflat, pflat):
    return pl.pallas_call(
        _routing_body,
        out_shape=(
            jax.ShapeDtypeStruct((S, 1), jnp.int32),
            jax.ShapeDtypeStruct((ROWS, 1), jnp.int32),
            jax.ShapeDtypeStruct((ROWS, 128), F32),
            jax.ShapeDtypeStruct((NTE, 1), jnp.int32),
        ),
    )(eflat, pflat)


NT2 = NTE // 2


def _gemm_body(te_ref, rt_ref, x_ref, prob_ref, wup_a_ref, wdn_a_ref,
               wup_b_ref, wdn_b_ref, out_ref, xg_ref):
    i = pl.program_id(0)
    for r in range(2 * TILE):
        tok = rt_ref[i * 2 * TILE + r]
        xg_ref[pl.ds(r, 1), :] = x_ref[pl.ds(tok, 1), :]
    c = 0.7071067811865476
    xa = xg_ref[pl.ds(0, TILE), :]
    hg_a = jnp.dot(xa, wup_a_ref[0], preferred_element_type=F32)
    h_a, g_a = hg_a[:, :H], hg_a[:, H:]
    act_a = (0.5 * h_a * (1.0 + jax.lax.erf(h_a * c))) * (g_a + 1.0) \
        * prob_ref[:TILE, :1]
    out_ref[pl.ds(0, TILE), :] = jnp.dot(act_a, wdn_a_ref[0],
                                         preferred_element_type=F32)
    xb = xg_ref[pl.ds(TILE, TILE), :]
    hg_b = jnp.dot(xb, wup_b_ref[0], preferred_element_type=F32)
    h_b, g_b = hg_b[:, :H], hg_b[:, H:]
    act_b = (0.5 * h_b * (1.0 + jax.lax.erf(h_b * c))) * (g_b + 1.0) \
        * prob_ref[TILE:, :1]
    out_ref[pl.ds(TILE, TILE), :] = jnp.dot(act_b, wdn_b_ref[0],
                                            preferred_element_type=F32)


def _grouped_gemm(te, row_tok, x, prob2d, W_up, W_down):
    grid_spec = pltpu.PrefetchScalarGridSpec(
        num_scalar_prefetch=2,
        grid=(NT2,),
        in_specs=[
            pl.BlockSpec((T, D), lambda i, te, rt: (0, 0)),
            pl.BlockSpec((2 * TILE, 128), lambda i, te, rt: (i, 0)),
            pl.BlockSpec((1, D, 2 * H), lambda i, te, rt: (te[2 * i], 0, 0)),
            pl.BlockSpec((1, H, D), lambda i, te, rt: (te[2 * i], 0, 0)),
            pl.BlockSpec((1, D, 2 * H),
                         lambda i, te, rt: (te[2 * i + 1], 0, 0)),
            pl.BlockSpec((1, H, D), lambda i, te, rt: (te[2 * i + 1], 0, 0)),
        ],
        out_specs=pl.BlockSpec((2 * TILE, D), lambda i, te, rt: (i, 0)),
        scratch_shapes=[pltpu.VMEM((2 * TILE, D), F32)],
    )
    return pl.pallas_call(
        _gemm_body,
        grid_spec=grid_spec,
        out_shape=jax.ShapeDtypeStruct((ROWS, D), F32),
    )(te, row_tok, x, prob2d, W_up, W_down, W_up, W_down)


NC, NS, L = 2, 16, 16
NW = NC * NS
RPW = ROWS // NW
TPW = T // NW
SPW = S // NW

_SC_MESH = plsc.VectorSubcoreMesh(core_axis_name="c", subcore_axis_name="s",
                                  num_cores=NC, num_subcores=NS)


def _combine_body(ys_hbm, pos_hbm, out_hbm, idx_v, rows_v, out_v, sem):
    wid = jax.lax.axis_index("s") * NC + jax.lax.axis_index("c")
    pltpu.sync_copy(pos_hbm.at[pl.ds(wid * SPW, SPW)], idx_v)
    pltpu.async_copy(ys_hbm.at[idx_v], rows_v, sem).wait()

    def tok_body(t, _):
        def chunk_body(c, _):
            a = rows_v[2 * t, pl.ds(c * L, L)]
            b = rows_v[2 * t + 1, pl.ds(c * L, L)]
            out_v[t, pl.ds(c * L, L)] = a + b
            return 0
        return jax.lax.fori_loop(0, D // L, chunk_body, 0)

    jax.lax.fori_loop(0, TPW, tok_body, 0)
    pltpu.sync_copy(out_v, out_hbm.at[pl.ds(wid * TPW, TPW)])


_combine = functools.partial(
    pl.kernel, _combine_body,
    out_type=jax.ShapeDtypeStruct((T, D), F32),
    mesh=_SC_MESH,
    scratch_types=[
        pltpu.VMEM((SPW,), jnp.int32),
        pltpu.VMEM((SPW, D), F32),
        pltpu.VMEM((TPW, D), F32),
        pltpu.SemaphoreType.DMA,
    ],
)()


def kernel(x, expert_p, expert_idxs, W_up, W_down):
    eflat = expert_idxs.astype(jnp.int32).reshape(S, 1)
    pflat = expert_p.astype(F32).reshape(S, 1)
    pos, row_tok, prob2d, te = _routing(eflat, pflat)
    pos = pos.reshape(S)
    row_tok = row_tok.reshape(ROWS)
    te = te.reshape(NTE)

    y_sorted = _grouped_gemm(te, row_tok, x, prob2d, W_up, W_down)
    y = _combine(y_sorted, pos)
    return y

# --- scband reference (transcript-rebuilt; emitter-appended) ---
"""Pipeline reference for scband-mlp-41506563948564 (READ-ONLY COPY).

The authoritative reference and input builder live on the scoring server;
editing this copy changes nothing except your own understanding.
"""

import jax, jax.numpy as jnp
import numpy as np

T, D, H, E, TOPK = 256, 1024, 512, 64, 2


def setup_inputs(seed: int = 0) -> dict:
    key = jax.random.key(seed)
    k1, k2, k3, k4, k5 = jax.random.split(key, 5)
    x = jax.random.normal(k1, (T, D), dtype=jnp.float32)
    expert_p = jax.random.uniform(k2, (T, TOPK), dtype=jnp.float32)
    expert_idxs = jax.random.randint(k3, (T, TOPK), 0, E)
    # ParallelExperts weights: up-proj produces hidden_size*2 (h, g) per expert,
    # down-proj maps hidden_size -> input_size per expert.
    W_up = jax.random.normal(k4, (E, D, 2 * H), dtype=jnp.float32) * 0.02
    W_down = jax.random.normal(k5, (E, H, D), dtype=jnp.float32) * 0.02
    return {"x": x, "expert_p": expert_p, "expert_idxs": expert_idxs, "W_up": W_up, "W_down": W_down}


def reference(x, expert_p, expert_idxs, W_up, W_down):
    # Faithful math of the ScatterMoE MLP forward:
    #   for each token t and routed slot j with expert e = expert_idxs[t, j]:
    #     u = x[t] @ W_up[e]; h, g = split(u); h = GELU(h) * (g + 1)
    #     y[t] += expert_p[t, j] * (h @ W_down[e])
    # Computed as dense per-expert GEMMs followed by a per-(token, slot) gather
    # and gated combine (scatter-free equivalent of grouped_out/grouped_in kernels).
    u = jnp.einsum('td,edh->eth', x, W_up)            # [E, T, 2H]
    h, g = jnp.split(u, 2, axis=-1)                   # [E, T, H] each
    h = jax.nn.gelu(h, approximate=False) * (g + 1.0)
    y_e = jnp.einsum('eth,ehd->etd', h, W_down)       # [E, T, D]
    tok = jnp.arange(x.shape[0])
    y = jnp.zeros_like(x)
    for j in range(expert_idxs.shape[1]):
        sel = y_e[expert_idxs[:, j], tok]             # gather per (token, slot)
        y = y + expert_p[:, j:j + 1] * sel
    return y

if __name__ == "__main__":
    import jax
    _d = setup_inputs()
    print(jax.jit(kernel)(*tuple(_d.values())))

</pallas_src>

<mosaic_0001>
#map = affine_map<(d0, d1) -> (0, 0)>
#map1 = affine_map<(d0, d1) -> (0)>
module attributes {stable_mosaic.version = 14 : i64} {
  func.func @_combine_body(%arg0: i32, %arg1: i32, %arg2: memref<2560x1024xf32, #tpu.memory_space<hbm>>, %arg3: memref<512xi32, #tpu.memory_space<hbm>>, %arg4: memref<256x1024xf32, #tpu.memory_space<hbm>>, %arg5: memref<16xi32, #tpu.memory_space<vmem>>, %arg6: memref<16x1024xf32, #tpu.memory_space<vmem>>, %arg7: memref<8x1024xf32, #tpu.memory_space<vmem>>, %arg8: memref<!tpu.dma_semaphore, #tpu.memory_space<semaphore_mem>>) attributes {dimension_semantics = [#tpu.dimension_semantics<core_parallel>, #tpu.dimension_semantics<subcore_parallel>], iteration_bounds = array<i64: 2, 16>, scalar_prefetch = 0 : i64, scratch_operands = 4 : i64, tpu.core_type = #tpu.core_type<sc_vector_subcore>, window_params = [{transform_indices = #map}, {transform_indices = #map1}, {transform_indices = #map}]} {
    %mul3A = arith.constant 2 : i32
    %mul3A_0 = arith.muli %arg1, %mul3A : i32
    %add3A = arith.addi %mul3A_0, %arg0 : i32
    %mul3A_1 = arith.constant 16 : i32
    %mul3A_2 = arith.muli %add3A, %mul3A_1 : i32
    "tpu.region"() ({
      %run_scoped3A = tpu.sem_alloc : memref<!tpu.dma_semaphore, #tpu.memory_space<semaphore_mem>>
      %dma_start3A_15 = tpu.memref_slice %arg3[%mul3A_2] : memref<512xi32, #tpu.memory_space<hbm>> -> memref<16xi32, #tpu.memory_space<hbm>>
      %dma_start3A_16 = tpu.memref_slice %arg3[%mul3A_2] : memref<512xi32, #tpu.memory_space<hbm>> -> memref<16xi32, #tpu.memory_space<hbm>>
      tpu.enqueue_dma source(%dma_start3A_16 : memref<16xi32, #tpu.memory_space<hbm>>) target(%arg5 : memref<16xi32, #tpu.memory_space<vmem>>) target_semaphore(%run_scoped3A : memref<!tpu.dma_semaphore, #tpu.memory_space<semaphore_mem>>)
      %dma_wait3A_17 = tpu.memref_slice %arg3[%mul3A_2] : memref<512xi32, #tpu.memory_space<hbm>> -> memref<16xi32, #tpu.memory_space<hbm>>
      %dma_wait3A_18 = tpu.memref_slice %arg3[%mul3A_2] : memref<512xi32, #tpu.memory_space<hbm>> -> memref<16xi32, #tpu.memory_space<hbm>>
      tpu.wait_dma2 semaphore(%run_scoped3A : memref<!tpu.dma_semaphore, #tpu.memory_space<semaphore_mem>>) src(%dma_wait3A_18 : memref<16xi32, #tpu.memory_space<hbm>>) dst(%arg5 : memref<16xi32, #tpu.memory_space<vmem>>)
      tpu.yield
    }) : () -> ()
    %dma_start3A = arith.constant 0 : i32
    %dma_start3A_3 = arith.constant 0 : i32
    %dma_start3A_4 = tpu.memref_slice %arg2[%dma_start3A, %dma_start3A_3] : memref<2560x1024xf32, #tpu.memory_space<hbm>> -> memref<2560x1024xf32, #tpu.memory_space<hbm>>
    tpu.enqueue_indirect_dma source(%dma_start3A_4 : memref<2560x1024xf32, #tpu.memory_space<hbm>>) target(%arg6 : memref<16x1024xf32, #tpu.memory_space<vmem>>) offsets(%arg5 : memref<16xi32, #tpu.memory_space<vmem>>) semaphore(%arg8 : memref<!tpu.dma_semaphore, #tpu.memory_space<semaphore_mem>>)
    %dma_wait3A = arith.constant 0 : i32
    %dma_wait3A_5 = arith.constant 0 : i32
    %dma_wait3A_6 = tpu.memref_slice %arg2[%dma_wait3A, %dma_wait3A_5] : memref<2560x1024xf32, #tpu.memory_space<hbm>> -> memref<2560x1024xf32, #tpu.memory_space<hbm>>
    tpu.wait_indirect_dma semaphore(%arg8 : memref<!tpu.dma_semaphore, #tpu.memory_space<semaphore_mem>>) src(%dma_wait3A_6 : memref<2560x1024xf32, #tpu.memory_space<hbm>>) dst(%arg6 : memref<16x1024xf32, #tpu.memory_space<vmem>>)
    %scan3A = arith.constant 0 : i32
    %scan3A_7 = arith.constant 0 : i32
    %scan3A_8 = arith.constant 8 : i32
    %scan3A_9 = arith.addi %scan3A_7, %scan3A_8 : i32
    %scan3A_10 = arith.constant 1 : i32
    %scan3A_11 = scf.for %scan3A_15 = %scan3A_7 to %scan3A_9 step %scan3A_10 iter_args(%scan3A_16 = %scan3A) -> (i32)  : i32 {
      %scan3A_17 = arith.constant 0 : i32
      %scan3A_18 = arith.constant 0 : i32
      %scan3A_19 = arith.constant 64 : i32
      %scan3A_20 = arith.addi %scan3A_18, %scan3A_19 : i32
      %scan3A_21 = arith.constant 1 : i32
      %scan3A_22 = scf.for %scan3A_24 = %scan3A_18 to %scan3A_20 step %scan3A_21 iter_args(%scan3A_25 = %scan3A_17) -> (i32)  : i32 {
        %mul3A_26 = arith.constant 2 : i32
        %mul3A_27 = arith.muli %mul3A_26, %scan3A_15 : i32
        %mul3A_28 = arith.constant 16 : i32
        %mul3A_29 = arith.muli %scan3A_24, %mul3A_28 : i32
        %get3A = arith.index_cast %mul3A_27 : i32 to index
        %get3A_30 = arith.index_cast %mul3A_29 : i32 to index
        %get3A_31 = tpu.vector_load %arg6[%get3A, %get3A_30] {strides = array<i32>} : memref<16x1024xf32, #tpu.memory_space<vmem>>, vector<1x16xf32>,
        %get3A_32 = vector.shape_cast %get3A_31 : vector<1x16xf32> to vector<16xf32>
        %mul3A_33 = arith.constant 2 : i32
        %mul3A_34 = arith.muli %mul3A_33, %scan3A_15 : i32
        %add3A_35 = arith.constant 1 : i32
        %add3A_36 = arith.addi %mul3A_34, %add3A_35 : i32
        %mul3A_37 = arith.constant 16 : i32
        %mul3A_38 = arith.muli %scan3A_24, %mul3A_37 : i32
        %get3A_39 = arith.index_cast %add3A_36 : i32 to index
        %get3A_40 = arith.index_cast %mul3A_38 : i32 to index
        %get3A_41 = tpu.vector_load %arg6[%get3A_39, %get3A_40] {strides = array<i32>} : memref<16x1024xf32, #tpu.memory_space<vmem>>, vector<1x16xf32>,
        %get3A_42 = vector.shape_cast %get3A_41 : vector<1x16xf32> to vector<16xf32>
        %add3A_43 = arith.addf %get3A_32, %get3A_42 : vector<16xf32>
        %mul3A_44 = arith.constant 16 : i32
        %mul3A_45 = arith.muli %scan3A_24, %mul3A_44 : i32
        %swap3A = arith.index_cast %scan3A_15 : i32 to index
        %swap3A_46 = arith.index_cast %mul3A_45 : i32 to index
        %swap3A_47 = tpu.vector_load %arg7[%swap3A, %swap3A_46] {strides = array<i32>} : memref<8x1024xf32, #tpu.memory_space<vmem>>, vector<1x16xf32>,
        %swap3A_48 = vector.shape_cast %swap3A_47 : vector<1x16xf32> to vector<16xf32>
        %swap3A_49 = vector.shape_cast %add3A_43 : vector<16xf32> to vector<1x16xf32>
        tpu.vector_store %arg7[%swap3A, %swap3A_46], %swap3A_49 {strides = array<i32>} : memref<8x1024xf32, #tpu.memory_space<vmem>>, vector<1x16xf32>,
        %scan3A_50 = arith.constant 0 : i32
        scf.yield %scan3A_50 : i32
      }
      %scan3A_23 = arith.constant 64 : i32
      scf.yield %scan3A_22 : i32
    }
    %scan3A_12 = arith.constant 8 : i32
    %mul3A_13 = arith.constant 8 : i32
    %mul3A_14 = arith.muli %add3A, %mul3A_13 : i32
    "tpu.region"() ({
      %run_scoped3A = tpu.sem_alloc : memref<!tpu.dma_semaphore, #tpu.memory_space<semaphore_mem>>
      %dma_start3A_15 = arith.constant 0 : i32
      %dma_start3A_16 = tpu.memref_slice %arg4[%mul3A_14, %dma_start3A_15] : memref<256x1024xf32, #tpu.memory_space<hbm>> -> memref<8x1024xf32, #tpu.memory_space<hbm>>
      %dma_start3A_17 = arith.constant 0 : i32
      %dma_start3A_18 = tpu.memref_slice %arg4[%mul3A_14, %dma_start3A_17] : memref<256x1024xf32, #tpu.memory_space<hbm>> -> memref<8x1024xf32, #tpu.memory_space<hbm>>
      tpu.enqueue_dma source(%arg7 : memref<8x1024xf32, #tpu.memory_space<vmem>>) target(%dma_start3A_18 : memref<8x1024xf32, #tpu.memory_space<hbm>>) target_semaphore(%run_scoped3A : memref<!tpu.dma_semaphore, #tpu.memory_space<semaphore_mem>>)
      %dma_wait3A_19 = arith.constant 0 : i32
      %dma_wait3A_20 = tpu.memref_slice %arg4[%mul3A_14, %dma_wait3A_19] : memref<256x1024xf32, #tpu.memory_space<hbm>> -> memref<8x1024xf32, #tpu.memory_space<hbm>>
      %dma_wait3A_21 = arith.constant 0 : i32
      %dma_wait3A_22 = tpu.memref_slice %arg4[%mul3A_14, %dma_wait3A_21] : memref<256x1024xf32, #tpu.memory_space<hbm>> -> memref<8x1024xf32, #tpu.memory_space<hbm>>
      tpu.wait_dma2 semaphore(%run_scoped3A : memref<!tpu.dma_semaphore, #tpu.memory_space<semaphore_mem>>) src(%arg7 : memref<8x1024xf32, #tpu.memory_space<vmem>>) dst(%dma_wait3A_22 : memref<8x1024xf32, #tpu.memory_space<hbm>>)
      tpu.yield
    }) : () -> ()
    return
  }
}

module attributes {stable_mosaic.version = 14 : i64} {
  func.func @_routing_body(%arg0: memref<512x1xi32, #tpu.memory_space<vmem>>, %arg1: memref<512x1xf32, #tpu.memory_space<vmem>>, %arg2: memref<512x1xi32, #tpu.memory_space<vmem>>, %arg3: memref<2560x1xi32, #tpu.memory_space<vmem>>, %arg4: memref<2560x128xf32, #tpu.memory_space<vmem>>, %arg5: memref<80x1xi32, #tpu.memory_space<vmem>>) attributes {dimension_semantics = [], scalar_prefetch = 0 : i64, scratch_operands = 0 : i64, tpu.core_type = #tpu.core_type<tc>} {
    %get3A = arith.constant 0 : index
    %get3A_0 = arith.constant 0 : index
    %get3A_1 = vector.load %arg0[%get3A, %get3A_0] : memref<512x1xi32, #tpu.memory_space<vmem>>, vector<512x1xi32>
    %get3A_2 = arith.constant 0 : index
    %get3A_3 = arith.constant 0 : index
    %get3A_4 = vector.load %arg1[%get3A_2, %get3A_3] : memref<512x1xf32, #tpu.memory_space<vmem>>, vector<512x1xf32>
    %iota3A = tpu.iota {dimensions = array<i32: 1>} : vector<1x64xi32>
    %eq3A = vector.broadcast %get3A_1 : vector<512x1xi32> to vector<512x64xi32>
    %eq3A_5 = vector.broadcast %iota3A : vector<1x64xi32> to vector<512x64xi32>
    %eq3A_6 = arith.cmpi eq, %eq3A, %eq3A_5 : vector<512x64xi32>
    %convert_element_type3A = arith.extui %eq3A_6 : vector<512x64xi1> to vector<512x64xi32>
    %convert_element_type3A_7 = arith.sitofp %convert_element_type3A : vector<512x64xi32> to vector<512x64xf32>
    %iota3A_8 = tpu.iota {dimensions = array<i32: 0>} : vector<512x512xi32>
    %iota3A_9 = tpu.iota {dimensions = array<i32: 1>} : vector<512x512xi32>
    %ge3A = arith.cmpi sge, %iota3A_8, %iota3A_9 : vector<512x512xi32>
    %convert_element_type3A_10 = arith.extui %ge3A : vector<512x512xi1> to vector<512x512xi32>
    %convert_element_type3A_11 = arith.sitofp %convert_element_type3A_10 : vector<512x512xi32> to vector<512x512xf32>
    %dot_general3A = arith.constant dense<0.000000e+00> : vector<512x64xf32>
    %dot_general3A_12 = tpu.matmul %convert_element_type3A_11, %convert_element_type3A_7, %dot_general3A {dimension_numbers = #tpu.dot_dimension_numbers<[1], [0], [0], [1], [0, 0, 1, 1], [], []>, transpose_lhs_hint = false} : vector<512x512xf32>, vector<512x64xf32>, vector<512x64xf32> -> vector<512x64xf32>
    %sub3A = arith.constant 1.000000e+00 : f32
    %sub3A_13 = vector.broadcast %sub3A : f32 to vector<512x64xf32>
    %sub3A_14 = arith.subf %dot_general3A_12, %sub3A_13 : vector<512x64xf32>
    %mul3A = arith.mulf %convert_element_type3A_7, %sub3A_14 : vector<512x64xf32>
    %reduce_sum3A = arith.constant dense<0.000000e+00> : vector<512xf32>
    %reduce_sum3A_15 = vector.multi_reduction <add>, %mul3A, %reduce_sum3A [1] : vector<512x64xf32> to vector<512xf32>
    %broadcast_in_dim3A = vector.shape_cast %reduce_sum3A_15 : vector<512xf32> to vector<512x1xf32>
    %reduce_sum3A_16 = arith.constant dense<0.000000e+00> : vector<64xf32>
    %reduce_sum3A_17 = vector.multi_reduction <add>, %convert_element_type3A_7, %reduce_sum3A_16 [0] : vector<512x64xf32> to vector<64xf32>
    %broadcast_in_dim3A_18 = vector.shape_cast %reduce_sum3A_17 : vector<64xf32> to vector<1x64xf32>
    %add3A = arith.constant 3.100000e+01 : f32
    %add3A_19 = vector.broadcast %add3A : f32 to vector<1x64xf32>
    %add3A_20 = arith.addf %broadcast_in_dim3A_18, %add3A_19 : vector<1x64xf32>
    %div3A = arith.constant 3.200000e+01 : f32
    %div3A_21 = vector.broadcast %div3A : f32 to vector<1x64xf32>
    %div3A_22 = arith.divf %add3A_20, %div3A_21 : vector<1x64xf32>
    %floor3A = math.floor %div3A_22 : vector<1x64xf32>
    %mul3A_23 = arith.constant 3.200000e+01 : f32
    %mul3A_24 = vector.broadcast %mul3A_23 : f32 to vector<1x64xf32>
    %mul3A_25 = arith.mulf %floor3A, %mul3A_24 : vector<1x64xf32>
    %iota3A_26 = tpu.iota {dimensions = array<i32: 0>} : vector<64x64xi32>
    %iota3A_27 = tpu.iota {dimensions = array<i32: 1>} : vector<64x64xi32>
    %lt3A = arith.cmpi slt, %iota3A_26, %iota3A_27 : vector<64x64xi32>
    %convert_element_type3A_28 = arith.extui %lt3A : vector<64x64xi1> to vector<64x64xi32>
    %convert_element_type3A_29 = arith.sitofp %convert_element_type3A_28 : vector<64x64xi32> to vector<64x64xf32>
    %dot_general3A_30 = arith.constant dense<0.000000e+00> : vector<1x64xf32>
    %dot_general3A_31 = tpu.matmul %mul3A_25, %convert_element_type3A_29, %dot_general3A_30 {dimension_numbers = #tpu.dot_dimension_numbers<[1], [0], [0], [1], [0, 0, 1, 1], [], []>, precision = #tpu.contract_precision<fp32>, transpose_lhs_hint = false} : vector<1x64xf32>, vector<64x64xf32>, vector<1x64xf32> -> vector<1x64xf32>
    %mul3A_32 = vector.broadcast %dot_general3A_31 : vector<1x64xf32> to vector<512x64xf32>
    %mul3A_33 = arith.mulf %convert_element_type3A_7, %mul3A_32 : vector<512x64xf32>
    %reduce_sum3A_34 = arith.constant dense<0.000000e+00> : vector<512xf32>
    %reduce_sum3A_35 = vector.multi_reduction <add>, %mul3A_33, %reduce_sum3A_34 [1] : vector<512x64xf32> to vector<512xf32>
    %broadcast_in_dim3A_36 = vector.shape_cast %reduce_sum3A_35 : vector<512xf32> to vector<512x1xf32>
    %add3A_37 = arith.addf %broadcast_in_dim3A_36, %broadcast_in_dim3A : vector<512x1xf32>
    %eq3A_38 = arith.cmpi eq, %iota3A_8, %iota3A_9 : vector<512x512xi32>
    %convert_element_type3A_39 = arith.extui %eq3A_38 : vector<512x512xi1> to vector<512x512xi32>
    %convert_element_type3A_40 = arith.sitofp %convert_element_type3A_39 : vector<512x512xi32> to vector<512x512xf32>
    %broadcast_in_dim3A_41 = arith.constant 1.000000e+00 : f32
    %broadcast_in_dim3A_42 = vector.broadcast %broadcast_in_dim3A_41 : f32 to vector<1x512xf32>
    %mul3A_43 = vector.broadcast %add3A_37 : vector<512x1xf32> to vector<512x512xf32>
    %mul3A_44 = arith.mulf %convert_element_type3A_40, %mul3A_43 : vector<512x512xf32>
    %dot_general3A_45 = arith.constant dense<0.000000e+00> : vector<1x512xf32>
    %dot_general3A_46 = tpu.matmul %broadcast_in_dim3A_42, %mul3A_44, %dot_general3A_45 {dimension_numbers = #tpu.dot_dimension_numbers<[1], [0], [0], [1], [0, 0, 1, 1], [], []>, precision = #tpu.contract_precision<fp32>, transpose_lhs_hint = false} : vector<1x512xf32>, vector<512x512xf32>, vector<1x512xf32> -> vector<1x512xf32>
    %iota3A_47 = tpu.iota {dimensions = array<i32: 0>} : vector<2560x1xi32>
    %convert_element_type3A_48 = arith.sitofp %iota3A_47 : vector<2560x1xi32> to vector<2560x1xf32>
    %eq3A_49 = vector.broadcast %convert_element_type3A_48 : vector<2560x1xf32> to vector<2560x512xf32>
    %eq3A_50 = vector.broadcast %dot_general3A_46 : vector<1x512xf32> to vector<2560x512xf32>
    %eq3A_51 = arith.cmpf oeq, %eq3A_49, %eq3A_50 : vector<2560x512xf32>
    %convert_element_type3A_52 = arith.extui %eq3A_51 : vector<2560x512xi1> to vector<2560x512xi32>
    %convert_element_type3A_53 = arith.sitofp %convert_element_type3A_52 : vector<2560x512xi32> to vector<2560x512xf32>
    %iota3A_54 = tpu.iota {dimensions = array<i32: 0>} : vector<512x1xi32>
    %jit3A = arith.constant 2 : i32
    %div3A_55 = vector.broadcast %jit3A : i32 to vector<512x1xi32>
    %div3A_56 = arith.divsi %iota3A_54, %div3A_55 : vector<512x1xi32>
    %sign3A = arith.constant 0 : i32
    %sign3A_57 = vector.broadcast %sign3A : i32 to vector<512x1xi32>
    %sign3A_58 = arith.cmpi sgt, %iota3A_54, %sign3A_57 : vector<512x1xi32>
    %sign3A_59 = arith.extui %sign3A_58 : vector<512x1xi1> to vector<512x1xi32>
    %sign3A_60 = arith.constant 0 : i32
    %sign3A_61 = vector.broadcast %sign3A_60 : i32 to vector<512x1xi32>
    %sign3A_62 = arith.cmpi slt, %iota3A_54, %sign3A_61 : vector<512x1xi32>
    %sign3A_63 = arith.extui %sign3A_62 : vector<512x1xi1> to vector<512x1xi32>
    %sign3A_64 = arith.subi %sign3A_59, %sign3A_63 : vector<512x1xi32>
    %sign3A_65 = arith.constant 0 : i32
    %sign3A_66 = arith.cmpi sgt, %jit3A, %sign3A_65 : i32
    %sign3A_67 = arith.extui %sign3A_66 : i1 to i32
    %sign3A_68 = arith.constant 0 : i32
    %sign3A_69 = arith.cmpi slt, %jit3A, %sign3A_68 : i32
    %sign3A_70 = arith.extui %sign3A_69 : i1 to i32
    %sign3A_71 = arith.subi %sign3A_67, %sign3A_70 : i32
    %ne3A = vector.broadcast %sign3A_71 : i32 to vector<512x1xi32>
    %ne3A_72 = arith.cmpi ne, %sign3A_64, %ne3A : vector<512x1xi32>
    %rem3A = vector.broadcast %jit3A : i32 to vector<512x1xi32>
    %rem3A_73 = arith.remsi %iota3A_54, %rem3A : vector<512x1xi32>
    %ne3A_74 = arith.constant 0 : i32
    %ne3A_75 = vector.broadcast %ne3A_74 : i32 to vector<512x1xi32>
    %ne3A_76 = arith.cmpi ne, %rem3A_73, %ne3A_75 : vector<512x1xi32>
    %and3A = arith.andi %ne3A_72, %ne3A_76 : vector<512x1xi1>
    %sub3A_77 = arith.constant 1 : i32
    %sub3A_78 = vector.broadcast %sub3A_77 : i32 to vector<512x1xi32>
    %sub3A_79 = arith.subi %div3A_56, %sub3A_78 : vector<512x1xi32>
    %select_n3A = arith.select %and3A, %sub3A_79, %div3A_56 : vector<512x1xi1>, vector<512x1xi32>
    %convert_element_type3A_80 = arith.sitofp %select_n3A : vector<512x1xi32> to vector<512x1xf32>
    %broadcast_in_dim3A_81 = arith.constant 1.000000e+00 : f32
    %broadcast_in_dim3A_82 = vector.broadcast %broadcast_in_dim3A_81 : f32 to vector<512x1xf32>
    %concatenate3A = tpu.concatenate %convert_element_type3A_80, %get3A_4, %broadcast_in_dim3A_82 in 1 : vector<512x1xf32>, vector<512x1xf32>, vector<512x1xf32> -> vector<512x3xf32>
    %dot_general3A_83 = arith.constant dense<0.000000e+00> : vector<2560x3xf32>
    %dot_general3A_84 = tpu.matmul %convert_element_type3A_53, %concatenate3A, %dot_general3A_83 {dimension_numbers = #tpu.dot_dimension_numbers<[1], [0], [0], [1], [0, 0, 1, 1], [], []>, precision = #tpu.contract_precision<fp32>, transpose_lhs_hint = false} : vector<2560x512xf32>, vector<512x3xf32>, vector<2560x3xf32> -> vector<2560x3xf32>
    %slice3A = vector.extract_strided_slice %dot_general3A_84 {offsets = [0, 0], sizes = [2560, 1], strides = [1, 1]} : vector<2560x3xf32> to vector<2560x1xf32>
    %slice3A_85 = vector.extract_strided_slice %dot_general3A_84 {offsets = [0, 1], sizes = [2560, 1], strides = [1, 1]} : vector<2560x3xf32> to vector<2560x1xf32>
    %slice3A_86 = vector.extract_strided_slice %dot_general3A_84 {offsets = [0, 2], sizes = [2560, 1], strides = [1, 1]} : vector<2560x3xf32> to vector<2560x1xf32>
    %div3A_87 = arith.constant 2.560000e+02 : f32
    %div3A_88 = vector.broadcast %div3A_87 : f32 to vector<2560x1xf32>
    %div3A_89 = arith.divf %convert_element_type3A_48, %div3A_88 : vector<2560x1xf32>
    %floor3A_90 = math.floor %div3A_89 : vector<2560x1xf32>
    %mul3A_91 = arith.constant 2.560000e+02 : f32
    %mul3A_92 = vector.broadcast %mul3A_91 : f32 to vector<2560x1xf32>
    %mul3A_93 = arith.mulf %floor3A_90, %mul3A_92 : vector<2560x1xf32>
    %sub3A_94 = arith.subf %convert_element_type3A_48, %mul3A_93 : vector<2560x1xf32>
    %gt3A = arith.constant 5.000000e-01 : f32
    %gt3A_95 = vector.broadcast %gt3A : f32 to vector<2560x1xf32>
    %gt3A_96 = arith.cmpf ogt, %slice3A_86, %gt3A_95 : vector<2560x1xf32>
    %select_n3A_97 = arith.select %gt3A_96, %slice3A, %sub3A_94 : vector<2560x1xi1>, vector<2560x1xf32>
    %iota3A_98 = tpu.iota {dimensions = array<i32: 0>} : vector<80x1xi32>
    %convert_element_type3A_99 = arith.sitofp %iota3A_98 : vector<80x1xi32> to vector<80x1xf32>
    %mul3A_100 = arith.constant 3.200000e+01 : f32
    %mul3A_101 = vector.broadcast %mul3A_100 : f32 to vector<80x1xf32>
    %mul3A_102 = arith.mulf %convert_element_type3A_99, %mul3A_101 : vector<80x1xf32>
    %ge3A_103 = vector.broadcast %mul3A_102 : vector<80x1xf32> to vector<80x64xf32>
    %ge3A_104 = vector.broadcast %dot_general3A_31 : vector<1x64xf32> to vector<80x64xf32>
    %ge3A_105 = arith.cmpf oge, %ge3A_103, %ge3A_104 : vector<80x64xf32>
    %add3A_106 = arith.addf %dot_general3A_31, %mul3A_25 : vector<1x64xf32>
    %lt3A_107 = vector.broadcast %mul3A_102 : vector<80x1xf32> to vector<80x64xf32>
    %lt3A_108 = vector.broadcast %add3A_106 : vector<1x64xf32> to vector<80x64xf32>
    %lt3A_109 = arith.cmpf olt, %lt3A_107, %lt3A_108 : vector<80x64xf32>
    %and3A_110 = arith.andi %ge3A_105, %lt3A_109 : vector<80x64xi1>
    %convert_element_type3A_111 = arith.extui %and3A_110 : vector<80x64xi1> to vector<80x64xi32>
    %convert_element_type3A_112 = arith.sitofp %convert_element_type3A_111 : vector<80x64xi32> to vector<80x64xf32>
    %convert_element_type3A_113 = arith.sitofp %iota3A : vector<1x64xi32> to vector<1x64xf32>
    %mul3A_114 = vector.broadcast %convert_element_type3A_113 : vector<1x64xf32> to vector<80x64xf32>
    %mul3A_115 = arith.mulf %convert_element_type3A_112, %mul3A_114 : vector<80x64xf32>
    %reduce_sum3A_116 = arith.constant dense<0.000000e+00> : vector<80xf32>
    %reduce_sum3A_117 = vector.multi_reduction <add>, %mul3A_115, %reduce_sum3A_116 [1] : vector<80x64xf32> to vector<80xf32>
    %broadcast_in_dim3A_118 = vector.shape_cast %reduce_sum3A_117 : vector<80xf32> to vector<80x1xf32>
    %reduce_sum3A_119 = arith.constant dense<0.000000e+00> : vector<80xf32>
    %reduce_sum3A_120 = vector.multi_reduction <add>, %convert_element_type3A_112, %reduce_sum3A_119 [1] : vector<80x64xf32> to vector<80xf32>
    %broadcast_in_dim3A_121 = vector.shape_cast %reduce_sum3A_120 : vector<80xf32> to vector<80x1xf32>
    %gt3A_122 = arith.constant 5.000000e-01 : f32
    %gt3A_123 = vector.broadcast %gt3A_122 : f32 to vector<80x1xf32>
    %gt3A_124 = arith.cmpf ogt, %broadcast_in_dim3A_121, %gt3A_123 : vector<80x1xf32>
    %reduce_max3A = vector.shape_cast %broadcast_in_dim3A_118 : vector<80x1xf32> to vector<1x80x1xf32>
    %reduce_max3A_125 = arith.constant dense<0xFF800000> : vector<1xf32>
    %reduce_max3A_126 = vector.multi_reduction <maximumf>, %reduce_max3A, %reduce_max3A_125 [1, 2] : vector<1x80x1xf32> to vector<1xf32>
    %reduce_max3A_127 = vector.shape_cast %reduce_max3A_126 : vector<1xf32> to vector<1x1x1xf32>
    %reduce_max3A_128 = vector.extract %reduce_max3A_127[0, 0, 0] : f32 from vector<1x1x1xf32>
    %broadcast_in_dim3A_129 = vector.broadcast %reduce_max3A_128 : f32 to vector<80x1xf32>
    %select_n3A_130 = arith.select %gt3A_124, %broadcast_in_dim3A_118, %broadcast_in_dim3A_129 : vector<80x1xi1>, vector<80x1xf32>
    %convert_element_type3A_131 = arith.fptosi %add3A_37 : vector<512x1xf32> to vector<512x1xi32>
    %swap3A = arith.constant 0 : index
    %swap3A_132 = arith.constant 0 : index
    %swap3A_133 = vector.load %arg2[%swap3A, %swap3A_132] : memref<512x1xi32, #tpu.memory_space<vmem>>, vector<512x1xi32>
    tpu.vector_store %arg2[%swap3A, %swap3A_132], %convert_element_type3A_131 {strides = array<i32>} : memref<512x1xi32, #tpu.memory_space<vmem>>, vector<512x1xi32>,
    %convert_element_type3A_134 = arith.fptosi %select_n3A_97 : vector<2560x1xf32> to vector<2560x1xi32>
    %swap3A_135 = arith.constant 0 : index
    %swap3A_136 = arith.constant 0 : index
    %swap3A_137 = vector.load %arg3[%swap3A_135, %swap3A_136] : memref<2560x1xi32, #tpu.memory_space<vmem>>, vector<2560x1xi32>
    tpu.vector_store %arg3[%swap3A_135, %swap3A_136], %convert_element_type3A_134 {strides = array<i32>} : memref<2560x1xi32, #tpu.memory_space<vmem>>, vector<2560x1xi32>,
    %broadcast_in_dim3A_138 = vector.shape_cast %slice3A_85 : vector<2560x1xf32> to vector<2560x1xf32>
    %broadcast_in_dim3A_139 = vector.broadcast %broadcast_in_dim3A_138 : vector<2560x1xf32> to vector<2560x128xf32>
    %swap3A_140 = arith.constant 0 : index
    %swap3A_141 = arith.constant 0 : index
    %swap3A_142 = vector.load %arg4[%swap3A_140, %swap3A_141] : memref<2560x128xf32, #tpu.memory_space<vmem>>, vector<2560x128xf32>
    tpu.vector_store %arg4[%swap3A_140, %swap3A_141], %broadcast_in_dim3A_139 {strides = array<i32>} : memref<2560x128xf32, #tpu.memory_space<vmem>>, vector<2560x128xf32>,
    %convert_element_type3A_143 = arith.fptosi %select_n3A_130 : vector<80x1xf32> to vector<80x1xi32>
    %swap3A_144 = arith.constant 0 : index
    %swap3A_145 = arith.constant 0 : index
    %swap3A_146 = vector.load %arg5[%swap3A_144, %swap3A_145] : memref<80x1xi32, #tpu.memory_space<vmem>>, vector<80x1xi32>
    tpu.vector_store %arg5[%swap3A_144, %swap3A_145], %convert_element_type3A_143 {strides = array<i32>} : memref<80x1xi32, #tpu.memory_space<vmem>>, vector<80x1xi32>,
    return
  }
}

module attributes {stable_mosaic.version = 14 : i64} {
  func.func @_gemm_body(%arg0: i32, %arg1: memref<80xi32, #tpu.memory_space<smem>>, %arg2: memref<2560xi32, #tpu.memory_space<smem>>, %arg3: memref<256x1024xf32, #tpu.memory_space<vmem>>, %arg4: memref<64x128xf32, #tpu.memory_space<vmem>>, %arg5: memref<1x1024x1024xf32, #tpu.memory_space<vmem>>, %arg6: memref<1x512x1024xf32, #tpu.memory_space<vmem>>, %arg7: memref<1x1024x1024xf32, #tpu.memory_space<vmem>>, %arg8: memref<1x512x1024xf32, #tpu.memory_space<vmem>>, %arg9: memref<64x1024xf32, #tpu.memory_space<vmem>>, %arg10: memref<64x1024xf32, #tpu.memory_space<vmem>>) attributes {dimension_semantics = [#tpu.dimension_semantics<arbitrary>], iteration_bounds = array<i64: 40>, scalar_prefetch = 2 : i64, scratch_operands = 1 : i64, tpu.core_type = #tpu.core_type<tc>, window_params = [{pipeline_mode = #tpu.pipeline_mode<synchronous>, transform_indices = @transform_0, window_bounds = array<i64: 256, 1024>}, {transform_indices = @transform_1, window_bounds = array<i64: 64, 128>}, {transform_indices = @transform_2, window_bounds = array<i64: 1, 1024, 1024>}, {transform_indices = @transform_3, window_bounds = array<i64: 1, 512, 1024>}, {transform_indices = @transform_4, window_bounds = array<i64: 1, 1024, 1024>}, {transform_indices = @transform_5, window_bounds = array<i64: 1, 512, 1024>}, {transform_indices = @transform_6, window_bounds = array<i64: 64, 1024>}]} {
    %mul3A = arith.constant 2 : i32
    %mul3A_0 = arith.muli %arg0, %mul3A : i32
    %mul3A_1 = arith.constant 32 : i32
    %mul3A_2 = arith.muli %mul3A_0, %mul3A_1 : i32
    %add3A = arith.constant 0 : i32
    %add3A_3 = arith.addi %mul3A_2, %add3A : i32
    %get3A = arith.index_cast %add3A_3 : i32 to index
    %get3A_4 = memref.load %arg2[%get3A] : memref<2560xi32, #tpu.memory_space<smem>>
    %get3A_5 = arith.index_cast %get3A_4 : i32 to index
    %get3A_6 = arith.constant 0 : index
    %get3A_7 = vector.load %arg3[%get3A_5, %get3A_6] : memref<256x1024xf32, #tpu.memory_space<vmem>>, vector<1x1024xf32>
    %swap3A = arith.constant 0 : index
    %swap3A_8 = arith.constant 0 : index
    %swap3A_9 = vector.load %arg10[%swap3A, %swap3A_8] : memref<64x1024xf32, #tpu.memory_space<vmem>>, vector<1x1024xf32>
    tpu.vector_store %arg10[%swap3A, %swap3A_8], %get3A_7 {strides = array<i32>} : memref<64x1024xf32, #tpu.memory_space<vmem>>, vector<1x1024xf32>,
    %mul3A_10 = arith.constant 2 : i32
    %mul3A_11 = arith.muli %arg0, %mul3A_10 : i32
    %mul3A_12 = arith.constant 32 : i32
    %mul3A_13 = arith.muli %mul3A_11, %mul3A_12 : i32
    %add3A_14 = arith.constant 1 : i32
    %add3A_15 = arith.addi %mul3A_13, %add3A_14 : i32
    %get3A_16 = arith.index_cast %add3A_15 : i32 to index
    %get3A_17 = memref.load %arg2[%get3A_16] : memref<2560xi32, #tpu.memory_space<smem>>
    %get3A_18 = arith.index_cast %get3A_17 : i32 to index
    %get3A_19 = arith.constant 0 : index
    %get3A_20 = vector.load %arg3[%get3A_18, %get3A_19] : memref<256x1024xf32, #tpu.memory_space<vmem>>, vector<1x1024xf32>
    %swap3A_21 = arith.constant 1 : index
    %swap3A_22 = arith.constant 0 : index
    %swap3A_23 = vector.load %arg10[%swap3A_21, %swap3A_22] : memref<64x1024xf32, #tpu.memory_space<vmem>>, vector<1x1024xf32>
    tpu.vector_store %arg10[%swap3A_21, %swap3A_22], %get3A_20 {strides = array<i32>} : memref<64x1024xf32, #tpu.memory_space<vmem>>, vector<1x1024xf32>,
    %mul3A_24 = arith.constant 2 : i32
    %mul3A_25 = arith.muli %arg0, %mul3A_24 : i32
    %mul3A_26 = arith.constant 32 : i32
    %mul3A_27 = arith.muli %mul3A_25, %mul3A_26 : i32
    %add3A_28 = arith.constant 2 : i32
    %add3A_29 = arith.addi %mul3A_27, %add3A_28 : i32
    %get3A_30 = arith.index_cast %add3A_29 : i32 to index
    %get3A_31 = memref.load %arg2[%get3A_30] : memref<2560xi32, #tpu.memory_space<smem>>
    %get3A_32 = arith.index_cast %get3A_31 : i32 to index
    %get3A_33 = arith.constant 0 : index
    %get3A_34 = vector.load %arg3[%get3A_32, %get3A_33] : memref<256x1024xf32, #tpu.memory_space<vmem>>, vector<1x1024xf32>
    %swap3A_35 = arith.constant 2 : index
    %swap3A_36 = arith.constant 0 : index
    %swap3A_37 = vector.load %arg10[%swap3A_35, %swap3A_36] : memref<64x1024xf32, #tpu.memory_space<vmem>>, vector<1x1024xf32>
    tpu.vector_store %arg10[%swap3A_35, %swap3A_36], %get3A_34 {strides = array<i32>} : memref<64x1024xf32, #tpu.memory_space<vmem>>, vector<1x1024xf32>,
    %mul3A_38 = arith.constant 2 : i32
    %mul3A_39 = arith.muli %arg0, %mul3A_38 : i32
    %mul3A_40 = arith.constant 32 : i32
    %mul3A_41 = arith.muli %mul3A_39, %mul3A_40 : i32
    %add3A_42 = arith.constant 3 : i32
    %add3A_43 = arith.addi %mul3A_41, %add3A_42 : i32
    %get3A_44 = arith.index_cast %add3A_43 : i32 to index
    %get3A_45 = memref.load %arg2[%get3A_44] : memref<2560xi32, #tpu.memory_space<smem>>
    %get3A_46 = arith.index_cast %get3A_45 : i32 to index
    %get3A_47 = arith.constant 0 : index
    %get3A_48 = vector.load %arg3[%get3A_46, %get3A_47] : memref<256x1024xf32, #tpu.memory_space<vmem>>, vector<1x1024xf32>
    %swap3A_49 = arith.constant 3 : index
    %swap3A_50 = arith.constant 0 : index
    %swap3A_51 = vector.load %arg10[%swap3A_49, %swap3A_50] : memref<64x1024xf32, #tpu.memory_space<vmem>>, vector<1x1024xf32>
    tpu.vector_store %arg10[%swap3A_49, %swap3A_50], %get3A_48 {strides = array<i32>} : memref<64x1024xf32, #tpu.memory_space<vmem>>, vector<1x1024xf32>,
    %mul3A_52 = arith.constant 2 : i32
    %mul3A_53 = arith.muli %arg0, %mul3A_52 : i32
    %mul3A_54 = arith.constant 32 : i32
    %mul3A_55 = arith.muli %mul3A_53, %mul3A_54 : i32
    %add3A_56 = arith.constant 4 : i32
    %add3A_57 = arith.addi %mul3A_55, %add3A_56 : i32
    %get3A_58 = arith.index_cast %add3A_57 : i32 to index
    %get3A_59 = memref.load %arg2[%get3A_58] : memref<2560xi32, #tpu.memory_space<smem>>
    %get3A_60 = arith.index_cast %get3A_59 : i32 to index
    %get3A_61 = arith.constant 0 : index
    %get3A_62 = vector.load %arg3[%get3A_60, %get3A_61] : memref<256x1024xf32, #tpu.memory_space<vmem>>, vector<1x1024xf32>
    %swap3A_63 = arith.constant 4 : index
    %swap3A_64 = arith.constant 0 : index
    %swap3A_65 = vector.load %arg10[%swap3A_63, %swap3A_64] : memref<64x1024xf32, #tpu.memory_space<vmem>>, vector<1x1024xf32>
    tpu.vector_store %arg10[%swap3A_63, %swap3A_64], %get3A_62 {strides = array<i32>} : memref<64x1024xf32, #tpu.memory_space<vmem>>, vector<1x1024xf32>,
    %mul3A_66 = arith.constant 2 : i32
    %mul3A_67 = arith.muli %arg0, %mul3A_66 : i32
    %mul3A_68 = arith.constant 32 : i32
    %mul3A_69 = arith.muli %mul3A_67, %mul3A_68 : i32
    %add3A_70 = arith.constant 5 : i32
    %add3A_71 = arith.addi %mul3A_69, %add3A_70 : i32
    %get3A_72 = arith.index_cast %add3A_71 : i32 to index
    %get3A_73 = memref.load %arg2[%get3A_72] : memref<2560xi32, #tpu.memory_space<smem>>
    %get3A_74 = arith.index_cast %get3A_73 : i32 to index
    %get3A_75 = arith.constant 0 : index
    %get3A_76 = vector.load %arg3[%get3A_74, %get3A_75] : memref<256x1024xf32, #tpu.memory_space<vmem>>, vector<1x1024xf32>
    %swap3A_77 = arith.constant 5 : index
    %swap3A_78 = arith.constant 0 : index
    %swap3A_79 = vector.load %arg10[%swap3A_77, %swap3A_78] : memref<64x1024xf32, #tpu.memory_space<vmem>>, vector<1x1024xf32>
    tpu.vector_store %arg10[%swap3A_77, %swap3A_78], %get3A_76 {strides = array<i32>} : memref<64x1024xf32, #tpu.memory_space<vmem>>, vector<1x1024xf32>,
    %mul3A_80 = arith.constant 2 : i32
    %mul3A_81 = arith.muli %arg0, %mul3A_80 : i32
    %mul3A_82 = arith.constant 32 : i32
    %mul3A_83 = arith.muli %mul3A_81, %mul3A_82 : i32
    %add3A_84 = arith.constant 6 : i32
    %add3A_85 = arith.addi %mul3A_83, %add3A_84 : i32
    %get3A_86 = arith.index_cast %add3A_85 : i32 to index
    %get3A_87 = memref.load %arg2[%get3A_86] : memref<2560xi32, #tpu.memory_space<smem>>
    %get3A_88 = arith.index_cast %get3A_87 : i32 to index
    %get3A_89 = arith.constant 0 : index
    %get3A_90 = vector.load %arg3[%get3A_88, %get3A_89] : memref<256x1024xf32, #tpu.memory_space<vmem>>, vector<1x1024xf32>
    %swap3A_91 = arith.constant 6 : index
    %swap3A_92 = arith.constant 0 : index
    %swap3A_93 = vector.load %arg10[%swap3A_91, %swap3A_92] : memref<64x1024xf32, #tpu.memory_space<vmem>>, vector<1x1024xf32>
    tpu.vector_store %arg10[%swap3A_91, %swap3A_92], %get3A_90 {strides = array<i32>} : memref<64x1024xf32, #tpu.memory_space<vmem>>, vector<1x1024xf32>,
    %mul3A_94 = arith.constant 2 : i32
    %mul3A_95 = arith.muli %arg0, %mul3A_94 : i32
    %mul3A_96 = arith.constant 32 : i32
    %mul3A_97 = arith.muli %mul3A_95, %mul3A_96 : i32
    %add3A_98 = arith.constant 7 : i32
    %add3A_99 = arith.addi %mul3A_97, %add3A_98 : i32
    %get3A_100 = arith.index_cast %add3A_99 : i32 to index
    %get3A_101 = memref.load %arg2[%get3A_100] : memref<2560xi32, #tpu.memory_space<smem>>
    %get3A_102 = arith.index_cast %get3A_101 : i32 to index
    %get3A_103 = arith.constant 0 : index
    %get3A_104 = vector.load %arg3[%get3A_102, %get3A_103] : memref<256x1024xf32, #tpu.memory_space<vmem>>, vector<1x1024xf32>
    %swap3A_105 = arith.constant 7 : index
    %swap3A_106 = arith.constant 0 : index
    %swap3A_107 = vector.load %arg10[%swap3A_105, %swap3A_106] : memref<64x1024xf32, #tpu.memory_space<vmem>>, vector<1x1024xf32>
    tpu.vector_store %arg10[%swap3A_105, %swap3A_106], %get3A_104 {strides = array<i32>} : memref<64x1024xf32, #tpu.memory_space<vmem>>, vector<1x1024xf32>,
    %mul3A_108 = arith.constant 2 : i32
    %mul3A_109 = arith.muli %arg0, %mul3A_108 : i32
    %mul3A_110 = arith.constant 32 : i32
    %mul3A_111 = arith.muli %mul3A_109, %mul3A_110 : i32
    %add3A_112 = arith.constant 8 : i32
    %add3A_113 = arith.addi %mul3A_111, %add3A_112 : i32
    %get3A_114 = arith.index_cast %add3A_113 : i32 to index
    %get3A_115 = memref.load %arg2[%get3A_114] : memref<2560xi32, #tpu.memory_space<smem>>
    %get3A_116 = arith.index_cast %get3A_115 : i32 to index
    %get3A_117 = arith.constant 0 : index
    %get3A_118 = vector.load %arg3[%get3A_116, %get3A_117] : memref<256x1024xf32, #tpu.memory_space<vmem>>, vector<1x1024xf32>
    %swap3A_119 = arith.constant 8 : index
    %swap3A_120 = arith.constant 0 : index
    %swap3A_121 = vector.load %arg10[%swap3A_119, %swap3A_120] : memref<64x1024xf32, #tpu.memory_space<vmem>>, vector<1x1024xf32>
    tpu.vector_store %arg10[%swap3A_119, %swap3A_120], %get3A_118 {strides = array<i32>} : memref<64x1024xf32, #tpu.memory_space<vmem>>, vector<1x1024xf32>,
    %mul3A_122 = arith.constant 2 : i32
    %mul3A_123 = arith.muli %arg0, %mul3A_122 : i32
    %mul3A_124 = arith.constant 32 : i32
    %mul3A_125 = arith.muli %mul3A_123, %mul3A_124 : i32
    %add3A_126 = arith.constant 9 : i32
    %add3A_127 = arith.addi %mul3A_125, %add3A_126 : i32
    %get3A_128 = arith.index_cast %add3A_127 : i32 to index
    %get3A_129 = memref.load %arg2[%get3A_128] : memref<2560xi32, #tpu.memory_space<smem>>
    %get3A_130 = arith.index_cast %get3A_129 : i32 to index
    %get3A_131 = arith.constant 0 : index
    %get3A_132 = vector.load %arg3[%get3A_130, %get3A_131] : memref<256x1024xf32, #tpu.memory_space<vmem>>, vector<1x1024xf32>
    %swap3A_133 = arith.constant 9 : index
    %swap3A_134 = arith.constant 0 : index
    %swap3A_135 = vector.load %arg10[%swap3A_133, %swap3A_134] : memref<64x1024xf32, #tpu.memory_space<vmem>>, vector<1x1024xf32>
    tpu.vector_store %arg10[%swap3A_133, %swap3A_134], %get3A_132 {strides = array<i32>} : memref<64x1024xf32, #tpu.memory_space<vmem>>, vector<1x1024xf32>,
    %mul3A_136 = arith.constant 2 : i32
    %mul3A_137 = arith.muli %arg0, %mul3A_136 : i32
    %mul3A_138 = arith.constant 32 : i32
    %mul3A_139 = arith.muli %mul3A_137, %mul3A_138 : i32
    %add3A_140 = arith.constant 10 : i32
    %add3A_141 = arith.addi %mul3A_139, %add3A_140 : i32
    %get3A_142 = arith.index_cast %add3A_141 : i32 to index
    %get3A_143 = memref.load %arg2[%get3A_142] : memref<2560xi32, #tpu.memory_space<smem>>
    %get3A_144 = arith.index_cast %get3A_143 : i32 to index
    %get3A_145 = arith.constant 0 : index
    %get3A_146 = vector.load %arg3[%get3A_144, %get3A_145] : memref<256x1024xf32, #tpu.memory_space<vmem>>, vector<1x1024xf32>
    %swap3A_147 = arith.constant 10 : index
    %swap3A_148 = arith.constant 0 : index
    %swap3A_149 = vector.load %arg10[%swap3A_147, %swap3A_148] : memref<64x1024xf32, #tpu.memory_space<vmem>>, vector<1x1024xf32>
    tpu.vector_store %arg10[%swap3A_147, %swap3A_148], %get3A_146 {strides = array<i32>} : memref<64x1024xf32, #tpu.memory_space<vmem>>, vector<1x1024xf32>,
    %mul3A_150 = arith.constant 2 : i32
    %mul3A_151 = arith.muli %arg0, %mul3A_150 : i32
    %mul3A_152 = arith.constant 32 : i32
    %mul3A_153 = arith.muli %mul3A_151, %mul3A_152 : i32
    %add3A_154 = arith.constant 11 : i32
    %add3A_155 = arith.addi %mul3A_153, %add3A_154 : i32
    %get3A_156 = arith.index_cast %add3A_155 : i32 to index
    %get3A_157 = memref.load %arg2[%get3A_156] : memref<2560xi32, #tpu.memory_space<smem>>
    %get3A_158 = arith.index_cast %get3A_157 : i32 to index
    %get3A_159 = arith.constant 0 : index
    %get3A_160 = vector.load %arg3[%get3A_158, %get3A_159] : memref<256x1024xf32, #tpu.memory_space<vmem>>, vector<1x1024xf32>
    %swap3A_161 = arith.constant 11 : index
    %swap3A_162 = arith.constant 0 : index
    %swap3A_163 = vector.load %arg10[%swap3A_161, %swap3A_162] : memref<64x1024xf32, #tpu.memory_space<vmem>>, vector<1x1024xf32>
    tpu.vector_store %arg10[%swap3A_161, %swap3A_162], %get3A_160 {strides = array<i32>} : memref<64x1024xf32, #tpu.memory_space<vmem>>, vector<1x1024xf32>,
    %mul3A_164 = arith.constant 2 : i32
    %mul3A_165 = arith.muli %arg0, %mul3A_164 : i32
    %mul3A_166 = arith.constant 32 : i32
    %mul3A_167 = arith.muli %mul3A_165, %mul3A_166 : i32
    %add3A_168 = arith.constant 12 : i32
    %add3A_169 = arith.addi %mul3A_167, %add3A_168 : i32
    %get3A_170 = arith.index_cast %add3A_169 : i32 to index
    %get3A_171 = memref.load %arg2[%get3A_170] : memref<2560xi32, #tpu.memory_space<smem>>
    %get3A_172 = arith.index_cast %get3A_171 : i32 to index
    %get3A_173 = arith.constant 0 : index
    %get3A_174 = vector.load %arg3[%get3A_172, %get3A_173] : memref<256x1024xf32, #tpu.memory_space<vmem>>, vector<1x1024xf32>
    %swap3A_175 = arith.constant 12 : index
    %swap3A_176 = arith.constant 0 : index
    %swap3A_177 = vector.load %arg10[%swap3A_175, %swap3A_176] : memref<64x1024xf32, #tpu.memory_space<vmem>>, vector<1x1024xf32>
    tpu.vector_store %arg10[%swap3A_175, %swap3A_176], %get3A_174 {strides = array<i32>} : memref<64x1024xf32, #tpu.memory_space<vmem>>, vector<1x1024xf32>,
    %mul3A_178 = arith.constant 2 : i32
    %mul3A_179 = arith.muli %arg0, %mul3A_178 : i32
    %mul3A_180 = arith.constant 32 : i32
    %mul3A_181 = arith.muli %mul3A_179, %mul3A_180 : i32
    %add3A_182 = arith.constant 13 : i32
    %add3A_183 = arith.addi %mul3A_181, %add3A_182 : i32
    %get3A_184 = arith.index_cast %add3A_183 : i32 to index
    %get3A_185 = memref.load %arg2[%get3A_184] : memref<2560xi32, #tpu.memory_space<smem>>
    %get3A_186 = arith.index_cast %get3A_185 : i32 to index
    %get3A_187 = arith.constant 0 : index
    %get3A_188 = vector.load %arg3[%get3A_186, %get3A_187] : memref<256x1024xf32, #tpu.memory_space<vmem>>, vector<1x1024xf32>
    %swap3A_189 = arith.constant 13 : index
    %swap3A_190 = arith.constant 0 : index
    %swap3A_191 = vector.load %arg10[%swap3A_189, %swap3A_190] : memref<64x1024xf32, #tpu.memory_space<vmem>>, vector<1x1024xf32>
    tpu.vector_store %arg10[%swap3A_189, %swap3A_190], %get3A_188 {strides = array<i32>} : memref<64x1024xf32, #tpu.memory_space<vmem>>, vector<1x1024xf32>,
    %mul3A_192 = arith.constant 2 : i32
    %mul3A_193 = arith.muli %arg0, %mul3A_192 : i32
    %mul3A_194 = arith.constant 32 : i32
    %mul3A_195 = arith.muli %mul3A_193, %mul3A_194 : i32
    %add3A_196 = arith.constant 14 : i32
    %add3A_197 = arith.addi %mul3A_195, %add3A_196 : i32
    %get3A_198 = arith.index_cast %add3A_197 : i32 to index
    %get3A_199 = memref.load %arg2[%get3A_198] : memref<2560xi32, #tpu.memory_space<smem>>
    %get3A_200 = arith.index_cast %get3A_199 : i32 to index
    %get3A_201 = arith.constant 0 : index
    %get3A_202 = vector.load %arg3[%get3A_200, %get3A_201] : memref<256x1024xf32, #tpu.memory_space<vmem>>, vector<1x1024xf32>
    %swap3A_203 = arith.constant 14 : index
    %swap3A_204 = arith.constant 0 : index
    %swap3A_205 = vector.load %arg10[%swap3A_203, %swap3A_204] : memref<64x1024xf32, #tpu.memory_space<vmem>>, vector<1x1024xf32>
    tpu.vector_store %arg10[%swap3A_203, %swap3A_204], %get3A_202 {strides = array<i32>} : memref<64x1024xf32, #tpu.memory_space<vmem>>, vector<1x1024xf32>,
    %mul3A_206 = arith.constant 2 : i32
    %mul3A_207 = arith.muli %arg0, %mul3A_206 : i32
    %mul3A_208 = arith.constant 32 : i32
    %mul3A_209 = arith.muli %mul3A_207, %mul3A_208 : i32
    %add3A_210 = arith.constant 15 : i32
    %add3A_211 = arith.addi %mul3A_209, %add3A_210 : i32
    %get3A_212 = arith.index_cast %add3A_211 : i32 to index
    %get3A_213 = memref.load %arg2[%get3A_212] : memref<2560xi32, #tpu.memory_space<smem>>
    %get3A_214 = arith.index_cast %get3A_213 : i32 to index
    %get3A_215 = arith.constant 0 : index
    %get3A_216 = vector.load %arg3[%get3A_214, %get3A_215] : memref<256x1024xf32, #tpu.memory_space<vmem>>, vector<1x1024xf32>
    %swap3A_217 = arith.constant 15 : index
    %swap3A_218 = arith.constant 0 : index
    %swap3A_219 = vector.load %arg10[%swap3A_217, %swap3A_218] : memref<64x1024xf32, #tpu.memory_space<vmem>>, vector<1x1024xf32>
    tpu.vector_store %arg10[%swap3A_217, %swap3A_218], %get3A_216 {strides = array<i32>} : memref<64x1024xf32, #tpu.memory_space<vmem>>, vector<1x1024xf32>,
    %mul3A_220 = arith.constant 2 : i32
    %mul3A_221 = arith.muli %arg0, %mul3A_220 : i32
    %mul3A_222 = arith.constant 32 : i32
    %mul3A_223 = arith.muli %mul3A_221, %mul3A_222 : i32
    %add3A_224 = arith.constant 16 : i32
    %add3A_225 = arith.addi %mul3A_223, %add3A_224 : i32
    %get3A_226 = arith.index_cast %add3A_225 : i32 to index
    %get3A_227 = memref.load %arg2[%get3A_226] : memref<2560xi32, #tpu.memory_space<smem>>
    %get3A_228 = arith.index_cast %get3A_227 : i32 to index
    %get3A_229 = arith.constant 0 : index
    %get3A_230 = vector.load %arg3[%get3A_228, %get3A_229] : memref<256x1024xf32, #tpu.memory_space<vmem>>, vector<1x1024xf32>
    %swap3A_231 = arith.constant 16 : index
    %swap3A_232 = arith.constant 0 : index
    %swap3A_233 = vector.load %arg10[%swap3A_231, %swap3A_232] : memref<64x1024xf32, #tpu.memory_space<vmem>>, vector<1x1024xf32>
    tpu.vector_store %arg10[%swap3A_231, %swap3A_232], %get3A_230 {strides = array<i32>} : memref<64x1024xf32, #tpu.memory_space<vmem>>, vector<1x1024xf32>,
    %mul3A_234 = arith.constant 2 : i32
    %mul3A_235 = arith.muli %arg0, %mul3A_234 : i32
    %mul3A_236 = arith.constant 32 : i32
    %mul3A_237 = arith.muli %mul3A_235, %mul3A_236 : i32
    %add3A_238 = arith.constant 17 : i32
    %add3A_239 = arith.addi %mul3A_237, %add3A_238 : i32
    %get3A_240 = arith.index_cast %add3A_239 : i32 to index
    %get3A_241 = memref.load %arg2[%get3A_240] : memref<2560xi32, #tpu.memory_space<smem>>
    %get3A_242 = arith.index_cast %get3A_241 : i32 to index
    %get3A_243 = arith.constant 0 : index
    %get3A_244 = vector.load %arg3[%get3A_242, %get3A_243] : memref<256x1024xf32, #tpu.memory_space<vmem>>, vector<1x1024xf32>
    %swap3A_245 = arith.constant 17 : index
    %swap3A_246 = arith.constant 0 : index
    %swap3A_247 = vector.load %arg10[%swap3A_245, %swap3A_246] : memref<64x1024xf32, #tpu.memory_space<vmem>>, vector<1x1024xf32>
    tpu.vector_store %arg10[%swap3A_245, %swap3A_246], %get3A_244 {strides = array<i32>} : memref<64x1024xf32, #tpu.memory_space<vmem>>, vector<1x1024xf32>,
    %mul3A_248 = arith.constant 2 : i32
    %mul3A_249 = arith.muli %arg0, %mul3A_248 : i32
    %mul3A_250 = arith.constant 32 : i32
    %mul3A_251 = arith.muli %mul3A_249, %mul3A_250 : i32
    %add3A_252 = arith.constant 18 : i32
    %add3A_253 = arith.addi %mul3A_251, %add3A_252 : i32
    %get3A_254 = arith.index_cast %add3A_253 : i32 to index
    %get3A_255 = memref.load %arg2[%get3A_254] : memref<2560xi32, #tpu.memory_space<smem>>
    %get3A_256 = arith.index_cast %get3A_255 : i32 to index
    %get3A_257 = arith.constant 0 : index
    %get3A_258 = vector.load %arg3[%get3A_256, %get3A_257] : memref<256x1024xf32, #tpu.memory_space<vmem>>, vector<1x1024xf32>
    %swap3A_259 = arith.constant 18 : index
    %swap3A_260 = arith.constant 0 : index
    %swap3A_261 = vector.load %arg10[%swap3A_259, %swap3A_260] : memref<64x1024xf32, #tpu.memory_space<vmem>>, vector<1x1024xf32>
    tpu.vector_store %arg10[%swap3A_259, %swap3A_260], %get3A_258 {strides = array<i32>} : memref<64x1024xf32, #tpu.memory_space<vmem>>, vector<1x1024xf32>,
    %mul3A_262 = arith.constant 2 : i32
    %mul3A_263 = arith.muli %arg0, %mul3A_262 : i32
    %mul3A_264 = arith.constant 32 : i32
    %mul3A_265 = arith.muli %mul3A_263, %mul3A_264 : i32
    %add3A_266 = arith.constant 19 : i32
    %add3A_267 = arith.addi %mul3A_265, %add3A_266 : i32
    %get3A_268 = arith.index_cast %add3A_267 : i32 to index
    %get3A_269 = memref.load %arg2[%get3A_268] : memref<2560xi32, #tpu.memory_space<smem>>
    %get3A_270 = arith.index_cast %get3A_269 : i32 to index
    %get3A_271 = arith.constant 0 : index
    %get3A_272 = vector.load %arg3[%get3A_270, %get3A_271] : memref<256x1024xf32, #tpu.memory_space<vmem>>, vector<1x1024xf32>
    %swap3A_273 = arith.constant 19 : index
    %swap3A_274 = arith.constant 0 : index
    %swap3A_275 = vector.load %arg10[%swap3A_273, %swap3A_274] : memref<64x1024xf32, #tpu.memory_space<vmem>>, vector<1x1024xf32>
    tpu.vector_store %arg10[%swap3A_273, %swap3A_274], %get3A_272 {strides = array<i32>} : memref<64x1024xf32, #tpu.memory_space<vmem>>, vector<1x1024xf32>,
    %mul3A_276 = arith.constant 2 : i32
    %mul3A_277 = arith.muli %arg0, %mul3A_276 : i32
    %mul3A_278 = arith.constant 32 : i32
    %mul3A_279 = arith.muli %mul3A_277, %mul3A_278 : i32
    %add3A_280 = arith.constant 20 : i32
    %add3A_281 = arith.addi %mul3A_279, %add3A_280 : i32
    %get3A_282 = arith.index_cast %add3A_281 : i32 to index
    %get3A_283 = memref.load %arg2[%get3A_282] : memref<2560xi32, #tpu.memory_space<smem>>
    %get3A_284 = arith.index_cast %get3A_283 : i32 to index
    %get3A_285 = arith.constant 0 : index
    %get3A_286 = vector.load %arg3[%get3A_284, %get3A_285] : memref<256x1024xf32, #tpu.memory_space<vmem>>, vector<1x1024xf32>
    %swap3A_287 = arith.constant 20 : index
    %swap3A_288 = arith.constant 0 : index
    %swap3A_289 = vector.load %arg10[%swap3A_287, %swap3A_288] : memref<64x1024xf32, #tpu.memory_space<vmem>>, vector<1x1024xf32>
    tpu.vector_store %arg10[%swap3A_287, %swap3A_288], %get3A_286 {strides = array<i32>} : memref<64x1024xf32, #tpu.memory_space<vmem>>, vector<1x1024xf32>,
    %mul3A_290 = arith.constant 2 : i32
    %mul3A_291 = arith.muli %arg0, %mul3A_290 : i32
    %mul3A_292 = arith.constant 32 : i32
    %mul3A_293 = arith.muli %mul3A_291, %mul3A_292 : i32
    %add3A_294 = arith.constant 21 : i32
    %add3A_295 = arith.addi %mul3A_293, %add3A_294 : i32
    %get3A_296 = arith.index_cast %add3A_295 : i32 to index
    %get3A_297 = memref.load %arg2[%get3A_296] : memref<2560xi32, #tpu.memory_space<smem>>
    %get3A_298 = arith.index_cast %get3A_297 : i32 to index
    %get3A_299 = arith.constant 0 : index
    %get3A_300 = vector.load %arg3[%get3A_298, %get3A_299] : memref<256x1024xf32, #tpu.memory_space<vmem>>, vector<1x1024xf32>
    %swap3A_301 = arith.constant 21 : index
    %swap3A_302 = arith.constant 0 : index
    %swap3A_303 = vector.load %arg10[%swap3A_301, %swap3A_302] : memref<64x1024xf32, #tpu.memory_space<vmem>>, vector<1x1024xf32>
    tpu.vector_store %arg10[%swap3A_301, %swap3A_302], %get3A_300 {strides = array<i32>} : memref<64x1024xf32, #tpu.memory_space<vmem>>, vector<1x1024xf32>,
    %mul3A_304 = arith.constant 2 : i32
    %mul3A_305 = arith.muli %arg0, %mul3A_304 : i32
    %mul3A_306 = arith.constant 32 : i32
    %mul3A_307 = arith.muli %mul3A_305, %mul3A_306 : i32
    %add3A_308 = arith.constant 22 : i32
    %add3A_309 = arith.addi %mul3A_307, %add3A_308 : i32
    %get3A_310 = arith.index_cast %add3A_309 : i32 to index
    %get3A_311 = memref.load %arg2[%get3A_310] : memref<2560xi32, #tpu.memory_space<smem>>
    %get3A_312 = arith.index_cast %get3A_311 : i32 to index
    %get3A_313 = arith.constant 0 : index
    %get3A_314 = vector.load %arg3[%get3A_312, %get3A_313] : memref<256x1024xf32, #tpu.memory_space<vmem>>, vector<1x1024xf32>
    %swap3A_315 = arith.constant 22 : index
    %swap3A_316 = arith.constant 0 : index
    %swap3A_317 = vector.load %arg10[%swap3A_315, %swap3A_316] : memref<64x1024xf32, #tpu.memory_space<vmem>>, vector<1x1024xf32>
    tpu.vector_store %arg10[%swap3A_315, %swap3A_316], %get3A_314 {strides = array<i32>} : memref<64x1024xf32, #tpu.memory_space<vmem>>, vector<1x1024xf32>,
    %mul3A_318 = arith.constant 2 : i32
    %mul3A_319 = arith.muli %arg0, %mul3A_318 : i32
    %mul3A_320 = arith.constant 32 : i32
    %mul3A_321 = arith.muli %mul3A_319, %mul3A_320 : i32
    %add3A_322 = arith.constant 23 : i32
    %add3A_323 = arith.addi %mul3A_321, %add3A_322 : i32
    %get3A_324 = arith.index_cast %add3A_323 : i32 to index
    %get3A_325 = memref.load %arg2[%get3A_324] : memref<2560xi32, #tpu.memory_space<smem>>
    %get3A_326 = arith.index_cast %get3A_325 : i32 to index
    %get3A_327 = arith.constant 0 : index
    %get3A_328 = vector.load %arg3[%get3A_326, %get3A_327] : memref<256x1024xf32, #tpu.memory_space<vmem>>, vector<1x1024xf32>
    %swap3A_329 = arith.constant 23 : index
    %swap3A_330 = arith.constant 0 : index
    %swap3A_331 = vector.load %arg10[%swap3A_329, %swap3A_330] : memref<64x1024xf32, #tpu.memory_space<vmem>>, vector<1x1024xf32>
    tpu.vector_store %arg10[%swap3A_329, %swap3A_330], %get3A_328 {strides = array<i32>} : memref<64x1024xf32, #tpu.memory_space<vmem>>, vector<1x1024xf32>,
    %mul3A_332 = arith.constant 2 : i32
    %mul3A_333 = arith.muli %arg0, %mul3A_332 : i32
    %mul3A_334 = arith.constant 32 : i32
    %mul3A_335 = arith.muli %mul3A_333, %mul3A_334 : i32
    %add3A_336 = arith.constant 24 : i32
    %add3A_337 = arith.addi %mul3A_335, %add3A_336 : i32
    %get3A_338 = arith.index_cast %add3A_337 : i32 to index
    %get3A_339 = memref.load %arg2[%get3A_338] : memref<2560xi32, #tpu.memory_space<smem>>
    %get3A_340 = arith.index_cast %get3A_339 : i32 to index
    %get3A_341 = arith.constant 0 : index
    %get3A_342 = vector.load %arg3[%get3A_340, %get3A_341] : memref<256x1024xf32, #tpu.memory_space<vmem>>, vector<1x1024xf32>
    %swap3A_343 = arith.constant 24 : index
    %swap3A_344 = arith.constant 0 : index
    %swap3A_345 = vector.load %arg10[%swap3A_343, %swap3A_344] : memref<64x1024xf32, #tpu.memory_space<vmem>>, vector<1x1024xf32>
    tpu.vector_store %arg10[%swap3A_343, %swap3A_344], %get3A_342 {strides = array<i32>} : memref<64x1024xf32, #tpu.memory_space<vmem>>, vector<1x1024xf32>,
    %mul3A_346 = arith.constant 2 : i32
    %mul3A_347 = arith.muli %arg0, %mul3A_346 : i32
    %mul3A_348 = arith.constant 32 : i32
    %mul3A_349 = arith.muli %mul3A_347, %mul3A_348 : i32
    %add3A_350 = arith.constant 25 : i32
    %add3A_351 = arith.addi %mul3A_349, %add3A_350 : i32
    %get3A_352 = arith.index_cast %add3A_351 : i32 to index
    %get3A_353 = memref.load %arg2[%get3A_352] : memref<2560xi32, #tpu.memory_space<smem>>
    %get3A_354 = arith.index_cast %get3A_353 : i32 to index
    %get3A_355 = arith.constant 0 : index
    %get3A_356 = vector.load %arg3[%get3A_354, %get3A_355] : memref<256x1024xf32, #tpu.memory_space<vmem>>, vector<1x1024xf32>
    %swap3A_357 = arith.constant 25 : index
    %swap3A_358 = arith.constant 0 : index
    %swap3A_359 = vector.load %arg10[%swap3A_357, %swap3A_358] : memref<64x1024xf32, #tpu.memory_space<vmem>>, vector<1x1024xf32>
    tpu.vector_store %arg10[%swap3A_357, %swap3A_358], %get3A_356 {strides = array<i32>} : memref<64x1024xf32, #tpu.memory_space<vmem>>, vector<1x1024xf32>,
    %mul3A_360 = arith.constant 2 : i32
    %mul3A_361 = arith.muli %arg0, %mul3A_360 : i32
    %mul3A_362 = arith.constant 32 : i32
    %mul3A_363 = arith.muli %mul3A_361, %mul3A_362 : i32
    %add3A_364 = arith.constant 26 : i32
    %add3A_365 = arith.addi %mul3A_363, %add3A_364 : i32
    %get3A_366 = arith.index_cast %add3A_365 : i32 to index
    %get3A_367 = memref.load %arg2[%get3A_366] : memref<2560xi32, #tpu.memory_space<smem>>
    %get3A_368 = arith.index_cast %get3A_367 : i32 to index
    %get3A_369 = arith.constant 0 : index
    %get3A_370 = vector.load %arg3[%get3A_368, %get3A_369] : memref<256x1024xf32, #tpu.memory_space<vmem>>, vector<1x1024xf32>
    %swap3A_371 = arith.constant 26 : index
    %swap3A_372 = arith.constant 0 : index
    %swap3A_373 = vector.load %arg10[%swap3A_371, %swap3A_372] : memref<64x1024xf32, #tpu.memory_space<vmem>>, vector<1x1024xf32>
    tpu.vector_store %arg10[%swap3A_371, %swap3A_372], %get3A_370 {strides = array<i32>} : memref<64x1024xf32, #tpu.memory_space<vmem>>, vector<1x1024xf32>,
    %mul3A_374 = arith.constant 2 : i32
    %mul3A_375 = arith.muli %arg0, %mul3A_374 : i32
    %mul3A_376 = arith.constant 32 : i32
    %mul3A_377 = arith.muli %mul3A_375, %mul3A_376 : i32
    %add3A_378 = arith.constant 27 : i32
    %add3A_379 = arith.addi %mul3A_377, %add3A_378 : i32
    %get3A_380 = arith.index_cast %add3A_379 : i32 to index
    %get3A_381 = memref.load %arg2[%get3A_380] : memref<2560xi32, #tpu.memory_space<smem>>
    %get3A_382 = arith.index_cast %get3A_381 : i32 to index
    %get3A_383 = arith.constant 0 : index
    %get3A_384 = vector.load %arg3[%get3A_382, %get3A_383] : memref<256x1024xf32, #tpu.memory_space<vmem>>, vector<1x1024xf32>
    %swap3A_385 = arith.constant 27 : index
    %swap3A_386 = arith.constant 0 : index
    %swap3A_387 = vector.load %arg10[%swap3A_385, %swap3A_386] : memref<64x1024xf32, #tpu.memory_space<vmem>>, vector<1x1024xf32>
    tpu.vector_store %arg10[%swap3A_385, %swap3A_386], %get3A_384 {strides = array<i32>} : memref<64x1024xf32, #tpu.memory_space<vmem>>, vector<1x1024xf32>,
    %mul3A_388 = arith.constant 2 : i32
    %mul3A_389 = arith.muli %arg0, %mul3A_388 : i32
    %mul3A_390 = arith.constant 32 : i32
    %mul3A_391 = arith.muli %mul3A_389, %mul3A_390 : i32
    %add3A_392 = arith.constant 28 : i32
    %add3A_393 = arith.addi %mul3A_391, %add3A_392 : i32
    %get3A_394 = arith.index_cast %add3A_393 : i32 to index
    %get3A_395 = memref.load %arg2[%get3A_394] : memref<2560xi32, #tpu.memory_space<smem>>
    %get3A_396 = arith.index_cast %get3A_395 : i32 to index
    %get3A_397 = arith.constant 0 : index
    %get3A_398 = vector.load %arg3[%get3A_396, %get3A_397] : memref<256x1024xf32, #tpu.memory_space<vmem>>, vector<1x1024xf32>
    %swap3A_399 = arith.constant 28 : index
    %swap3A_400 = arith.constant 0 : index
    %swap3A_401 = vector.load %arg10[%swap3A_399, %swap3A_400] : memref<64x1024xf32, #tpu.memory_space<vmem>>, vector<1x1024xf32>
    tpu.vector_store %arg10[%swap3A_399, %swap3A_400], %get3A_398 {strides = array<i32>} : memref<64x1024xf32, #tpu.memory_space<vmem>>, vector<1x1024xf32>,
    %mul3A_402 = arith.constant 2 : i32
    %mul3A_403 = arith.muli %arg0, %mul3A_402 : i32
    %mul3A_404 = arith.constant 32 : i32
    %mul3A_405 = arith.muli %mul3A_403, %mul3A_404 : i32
    %add3A_406 = arith.constant 29 : i32
    %add3A_407 = arith.addi %mul3A_405, %add3A_406 : i32
    %get3A_408 = arith.index_cast %add3A_407 : i32 to index
    %get3A_409 = memref.load %arg2[%get3A_408] : memref<2560xi32, #tpu.memory_space<smem>>
    %get3A_410 = arith.index_cast %get3A_409 : i32 to index
    %get3A_411 = arith.constant 0 : index
    %get3A_412 = vector.load %arg3[%get3A_410, %get3A_411] : memref<256x1024xf32, #tpu.memory_space<vmem>>, vector<1x1024xf32>
    %swap3A_413 = arith.constant 29 : index
    %swap3A_414 = arith.constant 0 : index
    %swap3A_415 = vector.load %arg10[%swap3A_413, %swap3A_414] : memref<64x1024xf32, #tpu.memory_space<vmem>>, vector<1x1024xf32>
    tpu.vector_store %arg10[%swap3A_413, %swap3A_414], %get3A_412 {strides = array<i32>} : memref<64x1024xf32, #tpu.memory_space<vmem>>, vector<1x1024xf32>,
    %mul3A_416 = arith.constant 2 : i32
    %mul3A_417 = arith.muli %arg0, %mul3A_416 : i32
    %mul3A_418 = arith.constant 32 : i32
    %mul3A_419 = arith.muli %mul3A_417, %mul3A_418 : i32
    %add3A_420 = arith.constant 30 : i32
    %add3A_421 = arith.addi %mul3A_419, %add3A_420 : i32
    %get3A_422 = arith.index_cast %add3A_421 : i32 to index
    %get3A_423 = memref.load %arg2[%get3A_422] : memref<2560xi32, #tpu.memory_space<smem>>
    %get3A_424 = arith.index_cast %get3A_423 : i32 to index
    %get3A_425 = arith.constant 0 : index
    %get3A_426 = vector.load %arg3[%get3A_424, %get3A_425] : memref<256x1024xf32, #tpu.memory_space<vmem>>, vector<1x1024xf32>
    %swap3A_427 = arith.constant 30 : index
    %swap3A_428 = arith.constant 0 : index
    %swap3A_429 = vector.load %arg10[%swap3A_427, %swap3A_428] : memref<64x1024xf32, #tpu.memory_space<vmem>>, vector<1x1024xf32>
    tpu.vector_store %arg10[%swap3A_427, %swap3A_428], %get3A_426 {strides = array<i32>} : memref<64x1024xf32, #tpu.memory_space<vmem>>, vector<1x1024xf32>,
    %mul3A_430 = arith.constant 2 : i32
    %mul3A_431 = arith.muli %arg0, %mul3A_430 : i32
    %mul3A_432 = arith.constant 32 : i32
    %mul3A_433 = arith.muli %mul3A_431, %mul3A_432 : i32
    %add3A_434 = arith.constant 31 : i32
    %add3A_435 = arith.addi %mul3A_433, %add3A_434 : i32
    %get3A_436 = arith.index_cast %add3A_435 : i32 to index
    %get3A_437 = memref.load %arg2[%get3A_436] : memref<2560xi32, #tpu.memory_space<smem>>
    %get3A_438 = arith.index_cast %get3A_437 : i32 to index
    %get3A_439 = arith.constant 0 : index
    %get3A_440 = vector.load %arg3[%get3A_438, %get3A_439] : memref<256x1024xf32, #tpu.memory_space<vmem>>, vector<1x1024xf32>
    %swap3A_441 = arith.constant 31 : index
    %swap3A_442 = arith.constant 0 : index
    %swap3A_443 = vector.load %arg10[%swap3A_441, %swap3A_442] : memref<64x1024xf32, #tpu.memory_space<vmem>>, vector<1x1024xf32>
    tpu.vector_store %arg10[%swap3A_441, %swap3A_442], %get3A_440 {strides = array<i32>} : memref<64x1024xf32, #tpu.memory_space<vmem>>, vector<1x1024xf32>,
    %mul3A_444 = arith.constant 2 : i32
    %mul3A_445 = arith.muli %arg0, %mul3A_444 : i32
    %mul3A_446 = arith.constant 32 : i32
    %mul3A_447 = arith.muli %mul3A_445, %mul3A_446 : i32
    %add3A_448 = arith.constant 32 : i32
    %add3A_449 = arith.addi %mul3A_447, %add3A_448 : i32
    %get3A_450 = arith.index_cast %add3A_449 : i32 to index
    %get3A_451 = memref.load %arg2[%get3A_450] : memref<2560xi32, #tpu.memory_space<smem>>
    %get3A_452 = arith.index_cast %get3A_451 : i32 to index
    %get3A_453 = arith.constant 0 : index
    %get3A_454 = vector.load %arg3[%get3A_452, %get3A_453] : memref<256x1024xf32, #tpu.memory_space<vmem>>, vector<1x1024xf32>
    %swap3A_455 = arith.constant 32 : index
    %swap3A_456 = arith.constant 0 : index
    %swap3A_457 = vector.load %arg10[%swap3A_455, %swap3A_456] : memref<64x1024xf32, #tpu.memory_space<vmem>>, vector<1x1024xf32>
    tpu.vector_store %arg10[%swap3A_455, %swap3A_456], %get3A_454 {strides = array<i32>} : memref<64x1024xf32, #tpu.memory_space<vmem>>, vector<1x1024xf32>,
    %mul3A_458 = arith.constant 2 : i32
    %mul3A_459 = arith.muli %arg0, %mul3A_458 : i32
    %mul3A_460 = arith.constant 32 : i32
    %mul3A_461 = arith.muli %mul3A_459, %mul3A_460 : i32
    %add3A_462 = arith.constant 33 : i32
    %add3A_463 = arith.addi %mul3A_461, %add3A_462 : i32
    %get3A_464 = arith.index_cast %add3A_463 : i32 to index
    %get3A_465 = memref.load %arg2[%get3A_464] : memref<2560xi32, #tpu.memory_space<smem>>
    %get3A_466 = arith.index_cast %get3A_465 : i32 to index
    %get3A_467 = arith.constant 0 : index
    %get3A_468 = vector.load %arg3[%get3A_466, %get3A_467] : memref<256x1024xf32, #tpu.memory_space<vmem>>, vector<1x1024xf32>
    %swap3A_469 = arith.constant 33 : index
    %swap3A_470 = arith.constant 0 : index
    %swap3A_471 = vector.load %arg10[%swap3A_469, %swap3A_470] : memref<64x1024xf32, #tpu.memory_space<vmem>>, vector<1x1024xf32>
    tpu.vector_store %arg10[%swap3A_469, %swap3A_470], %get3A_468 {strides = array<i32>} : memref<64x1024xf32, #tpu.memory_space<vmem>>, vector<1x1024xf32>,
    %mul3A_472 = arith.constant 2 : i32
    %mul3A_473 = arith.muli %arg0, %mul3A_472 : i32
    %mul3A_474 = arith.constant 32 : i32
    %mul3A_475 = arith.muli %mul3A_473, %mul3A_474 : i32
    %add3A_476 = arith.constant 34 : i32
    %add3A_477 = arith.addi %mul3A_475, %add3A_476 : i32
    %get3A_478 = arith.index_cast %add3A_477 : i32 to index
    %get3A_479 = memref.load %arg2[%get3A_478] : memref<2560xi32, #tpu.memory_space<smem>>
    %get3A_480 = arith.index_cast %get3A_479 : i32 to index
    %get3A_481 = arith.constant 0 : index
    %get3A_482 = vector.load %arg3[%get3A_480, %get3A_481] : memref<256x1024xf32, #tpu.memory_space<vmem>>, vector<1x1024xf32>
    %swap3A_483 = arith.constant 34 : index
    %swap3A_484 = arith.constant 0 : index
    %swap3A_485 = vector.load %arg10[%swap3A_483, %swap3A_484] : memref<64x1024xf32, #tpu.memory_space<vmem>>, vector<1x1024xf32>
    tpu.vector_store %arg10[%swap3A_483, %swap3A_484], %get3A_482 {strides = array<i32>} : memref<64x1024xf32, #tpu.memory_space<vmem>>, vector<1x1024xf32>,
    %mul3A_486 = arith.constant 2 : i32
    %mul3A_487 = arith.muli %arg0, %mul3A_486 : i32
    %mul3A_488 = arith.constant 32 : i32
    %mul3A_489 = arith.muli %mul3A_487, %mul3A_488 : i32
    %add3A_490 = arith.constant 35 : i32
    %add3A_491 = arith.addi %mul3A_489, %add3A_490 : i32
    %get3A_492 = arith.index_cast %add3A_491 : i32 to index
    %get3A_493 = memref.load %arg2[%get3A_492] : memref<2560xi32, #tpu.memory_space<smem>>
    %get3A_494 = arith.index_cast %get3A_493 : i32 to index
    %get3A_495 = arith.constant 0 : index
    %get3A_496 = vector.load %arg3[%get3A_494, %get3A_495] : memref<256x1024xf32, #tpu.memory_space<vmem>>, vector<1x1024xf32>
    %swap3A_497 = arith.constant 35 : index
    %swap3A_498 = arith.constant 0 : index
    %swap3A_499 = vector.load %arg10[%swap3A_497, %swap3A_498] : memref<64x1024xf32, #tpu.memory_space<vmem>>, vector<1x1024xf32>
    tpu.vector_store %arg10[%swap3A_497, %swap3A_498], %get3A_496 {strides = array<i32>} : memref<64x1024xf32, #tpu.memory_space<vmem>>, vector<1x1024xf32>,
    %mul3A_500 = arith.constant 2 : i32
    %mul3A_501 = arith.muli %arg0, %mul3A_500 : i32
    %mul3A_502 = arith.constant 32 : i32
    %mul3A_503 = arith.muli %mul3A_501, %mul3A_502 : i32
    %add3A_504 = arith.constant 36 : i32
    %add3A_505 = arith.addi %mul3A_503, %add3A_504 : i32
    %get3A_506 = arith.index_cast %add3A_505 : i32 to index
    %get3A_507 = memref.load %arg2[%get3A_506] : memref<2560xi32, #tpu.memory_space<smem>>
    %get3A_508 = arith.index_cast %get3A_507 : i32 to index
    %get3A_509 = arith.constant 0 : index
    %get3A_510 = vector.load %arg3[%get3A_508, %get3A_509] : memref<256x1024xf32, #tpu.memory_space<vmem>>, vector<1x1024xf32>
    %swap3A_511 = arith.constant 36 : index
    %swap3A_512 = arith.constant 0 : index
    %swap3A_513 = vector.load %arg10[%swap3A_511, %swap3A_512] : memref<64x1024xf32, #tpu.memory_space<vmem>>, vector<1x1024xf32>
    tpu.vector_store %arg10[%swap3A_511, %swap3A_512], %get3A_510 {strides = array<i32>} : memref<64x1024xf32, #tpu.memory_space<vmem>>, vector<1x1024xf32>,
    %mul3A_514 = arith.constant 2 : i32
    %mul3A_515 = arith.muli %arg0, %mul3A_514 : i32
    %mul3A_516 = arith.constant 32 : i32
    %mul3A_517 = arith.muli %mul3A_515, %mul3A_516 : i32
    %add3A_518 = arith.constant 37 : i32
    %add3A_519 = arith.addi %mul3A_517, %add3A_518 : i32
    %get3A_520 = arith.index_cast %add3A_519 : i32 to index
    %get3A_521 = memref.load %arg2[%get3A_520] : memref<2560xi32, #tpu.memory_space<smem>>
    %get3A_522 = arith.index_cast %get3A_521 : i32 to index
    %get3A_523 = arith.constant 0 : index
    %get3A_524 = vector.load %arg3[%get3A_522, %get3A_523] : memref<256x1024xf32, #tpu.memory_space<vmem>>, vector<1x1024xf32>
    %swap3A_525 = arith.constant 37 : index
    %swap3A_526 = arith.constant 0 : index
    %swap3A_527 = vector.load %arg10[%swap3A_525, %swap3A_526] : memref<64x1024xf32, #tpu.memory_space<vmem>>, vector<1x1024xf32>
    tpu.vector_store %arg10[%swap3A_525, %swap3A_526], %get3A_524 {strides = array<i32>} : memref<64x1024xf32, #tpu.memory_space<vmem>>, vector<1x1024xf32>,
    %mul3A_528 = arith.constant 2 : i32
    %mul3A_529 = arith.muli %arg0, %mul3A_528 : i32
    %mul3A_530 = arith.constant 32 : i32
    %mul3A_531 = arith.muli %mul3A_529, %mul3A_530 : i32
    %add3A_532 = arith.constant 38 : i32
    %add3A_533 = arith.addi %mul3A_531, %add3A_532 : i32
    %get3A_534 = arith.index_cast %add3A_533 : i32 to index
    %get3A_535 = memref.load %arg2[%get3A_534] : memref<2560xi32, #tpu.memory_space<smem>>
    %get3A_536 = arith.index_cast %get3A_535 : i32 to index
    %get3A_537 = arith.constant 0 : index
    %get3A_538 = vector.load %arg3[%get3A_536, %get3A_537] : memref<256x1024xf32, #tpu.memory_space<vmem>>, vector<1x1024xf32>
    %swap3A_539 = arith.constant 38 : index
    %swap3A_540 = arith.constant 0 : index
    %swap3A_541 = vector.load %arg10[%swap3A_539, %swap3A_540] : memref<64x1024xf32, #tpu.memory_space<vmem>>, vector<1x1024xf32>
    tpu.vector_store %arg10[%swap3A_539, %swap3A_540], %get3A_538 {strides = array<i32>} : memref<64x1024xf32, #tpu.memory_space<vmem>>, vector<1x1024xf32>,
    %mul3A_542 = arith.constant 2 : i32
    %mul3A_543 = arith.muli %arg0, %mul3A_542 : i32
    %mul3A_544 = arith.constant 32 : i32
    %mul3A_545 = arith.muli %mul3A_543, %mul3A_544 : i32
    %add3A_546 = arith.constant 39 : i32
    %add3A_547 = arith.addi %mul3A_545, %add3A_546 : i32
    %get3A_548 = arith.index_cast %add3A_547 : i32 to index
    %get3A_549 = memref.load %arg2[%get3A_548] : memref<2560xi32, #tpu.memory_space<smem>>
    %get3A_550 = arith.index_cast %get3A_549 : i32 to index
    %get3A_551 = arith.constant 0 : index
    %get3A_552 = vector.load %arg3[%get3A_550, %get3A_551] : memref<256x1024xf32, #tpu.memory_space<vmem>>, vector<1x1024xf32>
    %swap3A_553 = arith.constant 39 : index
    %swap3A_554 = arith.constant 0 : index
    %swap3A_555 = vector.load %arg10[%swap3A_553, %swap3A_554] : memref<64x1024xf32, #tpu.memory_space<vmem>>, vector<1x1024xf32>
    tpu.vector_store %arg10[%swap3A_553, %swap3A_554], %get3A_552 {strides = array<i32>} : memref<64x1024xf32, #tpu.memory_space<vmem>>, vector<1x1024xf32>,
    %mul3A_556 = arith.constant 2 : i32
    %mul3A_557 = arith.muli %arg0, %mul3A_556 : i32
    %mul3A_558 = arith.constant 32 : i32
    %mul3A_559 = arith.muli %mul3A_557, %mul3A_558 : i32
    %add3A_560 = arith.constant 40 : i32
    %add3A_561 = arith.addi %mul3A_559, %add3A_560 : i32
    %get3A_562 = arith.index_cast %add3A_561 : i32 to index
    %get3A_563 = memref.load %arg2[%get3A_562] : memref<2560xi32, #tpu.memory_space<smem>>
    %get3A_564 = arith.index_cast %get3A_563 : i32 to index
    %get3A_565 = arith.constant 0 : index
    %get3A_566 = vector.load %arg3[%get3A_564, %get3A_565] : memref<256x1024xf32, #tpu.memory_space<vmem>>, vector<1x1024xf32>
    %swap3A_567 = arith.constant 40 : index
    %swap3A_568 = arith.constant 0 : index
    %swap3A_569 = vector.load %arg10[%swap3A_567, %swap3A_568] : memref<64x1024xf32, #tpu.memory_space<vmem>>, vector<1x1024xf32>
    tpu.vector_store %arg10[%swap3A_567, %swap3A_568], %get3A_566 {strides = array<i32>} : memref<64x1024xf32, #tpu.memory_space<vmem>>, vector<1x1024xf32>,
    %mul3A_570 = arith.constant 2 : i32
    %mul3A_571 = arith.muli %arg0, %mul3A_570 : i32
    %mul3A_572 = arith.constant 32 : i32
    %mul3A_573 = arith.muli %mul3A_571, %mul3A_572 : i32
    %add3A_574 = arith.constant 41 : i32
    %add3A_575 = arith.addi %mul3A_573, %add3A_574 : i32
    %get3A_576 = arith.index_cast %add3A_575 : i32 to index
    %get3A_577 = memref.load %arg2[%get3A_576] : memref<2560xi32, #tpu.memory_space<smem>>
    %get3A_578 = arith.index_cast %get3A_577 : i32 to index
    %get3A_579 = arith.constant 0 : index
    %get3A_580 = vector.load %arg3[%get3A_578, %get3A_579] : memref<256x1024xf32, #tpu.memory_space<vmem>>, vector<1x1024xf32>
    %swap3A_581 = arith.constant 41 : index
    %swap3A_582 = arith.constant 0 : index
    %swap3A_583 = vector.load %arg10[%swap3A_581, %swap3A_582] : memref<64x1024xf32, #tpu.memory_space<vmem>>, vector<1x1024xf32>
    tpu.vector_store %arg10[%swap3A_581, %swap3A_582], %get3A_580 {strides = array<i32>} : memref<64x1024xf32, #tpu.memory_space<vmem>>, vector<1x1024xf32>,
    %mul3A_584 = arith.constant 2 : i32
    %mul3A_585 = arith.muli %arg0, %mul3A_584 : i32
    %mul3A_586 = arith.constant 32 : i32
    %mul3A_587 = arith.muli %mul3A_585, %mul3A_586 : i32
    %add3A_588 = arith.constant 42 : i32
    %add3A_589 = arith.addi %mul3A_587, %add3A_588 : i32
    %get3A_590 = arith.index_cast %add3A_589 : i32 to index
    %get3A_591 = memref.load %arg2[%get3A_590] : memref<2560xi32, #tpu.memory_space<smem>>
    %get3A_592 = arith.index_cast %get3A_591 : i32 to index
    %get3A_593 = arith.constant 0 : index
    %get3A_594 = vector.load %arg3[%get3A_592, %get3A_593] : memref<256x1024xf32, #tpu.memory_space<vmem>>, vector<1x1024xf32>
    %swap3A_595 = arith.constant 42 : index
    %swap3A_596 = arith.constant 0 : index
    %swap3A_597 = vector.load %arg10[%swap3A_595, %swap3A_596] : memref<64x1024xf32, #tpu.memory_space<vmem>>, vector<1x1024xf32>
    tpu.vector_store %arg10[%swap3A_595, %swap3A_596], %get3A_594 {strides = array<i32>} : memref<64x1024xf32, #tpu.memory_space<vmem>>, vector<1x1024xf32>,
    %mul3A_598 = arith.constant 2 : i32
    %mul3A_599 = arith.muli %arg0, %mul3A_598 : i32
    %mul3A_600 = arith.constant 32 : i32
    %mul3A_601 = arith.muli %mul3A_599, %mul3A_600 : i32
    %add3A_602 = arith.constant 43 : i32
    %add3A_603 = arith.addi %mul3A_601, %add3A_602 : i32
    %get3A_604 = arith.index_cast %add3A_603 : i32 to index
    %get3A_605 = memref.load %arg2[%get3A_604] : memref<2560xi32, #tpu.memory_space<smem>>
    %get3A_606 = arith.index_cast %get3A_605 : i32 to index
    %get3A_607 = arith.constant 0 : index
    %get3A_608 = vector.load %arg3[%get3A_606, %get3A_607] : memref<256x1024xf32, #tpu.memory_space<vmem>>, vector<1x1024xf32>
    %swap3A_609 = arith.constant 43 : index
    %swap3A_610 = arith.constant 0 : index
    %swap3A_611 = vector.load %arg10[%swap3A_609, %swap3A_610] : memref<64x1024xf32, #tpu.memory_space<vmem>>, vector<1x1024xf32>
    tpu.vector_store %arg10[%swap3A_609, %swap3A_610], %get3A_608 {strides = array<i32>} : memref<64x1024xf32, #tpu.memory_space<vmem>>, vector<1x1024xf32>,
    %mul3A_612 = arith.constant 2 : i32
    %mul3A_613 = arith.muli %arg0, %mul3A_612 : i32
    %mul3A_614 = arith.constant 32 : i32
    %mul3A_615 = arith.muli %mul3A_613, %mul3A_614 : i32
    %add3A_616 = arith.constant 44 : i32
    %add3A_617 = arith.addi %mul3A_615, %add3A_616 : i32
    %get3A_618 = arith.index_cast %add3A_617 : i32 to index
    %get3A_619 = memref.load %arg2[%get3A_618] : memref<2560xi32, #tpu.memory_space<smem>>
    %get3A_620 = arith.index_cast %get3A_619 : i32 to index
    %get3A_621 = arith.constant 0 : index
    %get3A_622 = vector.load %arg3[%get3A_620, %get3A_621] : memref<256x1024xf32, #tpu.memory_space<vmem>>, vector<1x1024xf32>
    %swap3A_623 = arith.constant 44 : index
    %swap3A_624 = arith.constant 0 : index
    %swap3A_625 = vector.load %arg10[%swap3A_623, %swap3A_624] : memref<64x1024xf32, #tpu.memory_space<vmem>>, vector<1x1024xf32>
    tpu.vector_store %arg10[%swap3A_623, %swap3A_624], %get3A_622 {strides = array<i32>} : memref<64x1024xf32, #tpu.memory_space<vmem>>, vector<1x1024xf32>,
    %mul3A_626 = arith.constant 2 : i32
    %mul3A_627 = arith.muli %arg0, %mul3A_626 : i32
    %mul3A_628 = arith.constant 32 : i32
    %mul3A_629 = arith.muli %mul3A_627, %mul3A_628 : i32
    %add3A_630 = arith.constant 45 : i32
    %add3A_631 = arith.addi %mul3A_629, %add3A_630 : i32
    %get3A_632 = arith.index_cast %add3A_631 : i32 to index
    %get3A_633 = memref.load %arg2[%get3A_632] : memref<2560xi32, #tpu.memory_space<smem>>
    %get3A_634 = arith.index_cast %get3A_633 : i32 to index
    %get3A_635 = arith.constant 0 : index
    %get3A_636 = vector.load %arg3[%get3A_634, %get3A_635] : memref<256x1024xf32, #tpu.memory_space<vmem>>, vector<1x1024xf32>
    %swap3A_637 = arith.constant 45 : index
    %swap3A_638 = arith.constant 0 : index
    %swap3A_639 = vector.load %arg10[%swap3A_637, %swap3A_638] : memref<64x1024xf32, #tpu.memory_space<vmem>>, vector<1x1024xf32>
    tpu.vector_store %arg10[%swap3A_637, %swap3A_638], %get3A_636 {strides = array<i32>} : memref<64x1024xf32, #tpu.memory_space<vmem>>, vector<1x1024xf32>,
    %mul3A_640 = arith.constant 2 : i32
    %mul3A_641 = arith.muli %arg0, %mul3A_640 : i32
    %mul3A_642 = arith.constant 32 : i32
    %mul3A_643 = arith.muli %mul3A_641, %mul3A_642 : i32
    %add3A_644 = arith.constant 46 : i32
    %add3A_645 = arith.addi %mul3A_643, %add3A_644 : i32
    %get3A_646 = arith.index_cast %add3A_645 : i32 to index
    %get3A_647 = memref.load %arg2[%get3A_646] : memref<2560xi32, #tpu.memory_space<smem>>
    %get3A_648 = arith.index_cast %get3A_647 : i32 to index
    %get3A_649 = arith.constant 0 : index
    %get3A_650 = vector.load %arg3[%get3A_648, %get3A_649] : memref<256x1024xf32, #tpu.memory_space<vmem>>, vector<1x1024xf32>
    %swap3A_651 = arith.constant 46 : index
    %swap3A_652 = arith.constant 0 : index
    %swap3A_653 = vector.load %arg10[%swap3A_651, %swap3A_652] : memref<64x1024xf32, #tpu.memory_space<vmem>>, vector<1x1024xf32>
    tpu.vector_store %arg10[%swap3A_651, %swap3A_652], %get3A_650 {strides = array<i32>} : memref<64x1024xf32, #tpu.memory_space<vmem>>, vector<1x1024xf32>,
    %mul3A_654 = arith.constant 2 : i32
    %mul3A_655 = arith.muli %arg0, %mul3A_654 : i32
    %mul3A_656 = arith.constant 32 : i32
    %mul3A_657 = arith.muli %mul3A_655, %mul3A_656 : i32
    %add3A_658 = arith.constant 47 : i32
    %add3A_659 = arith.addi %mul3A_657, %add3A_658 : i32
    %get3A_660 = arith.index_cast %add3A_659 : i32 to index
    %get3A_661 = memref.load %arg2[%get3A_660] : memref<2560xi32, #tpu.memory_space<smem>>
    %get3A_662 = arith.index_cast %get3A_661 : i32 to index
    %get3A_663 = arith.constant 0 : index
    %get3A_664 = vector.load %arg3[%get3A_662, %get3A_663] : memref<256x1024xf32, #tpu.memory_space<vmem>>, vector<1x1024xf32>
    %swap3A_665 = arith.constant 47 : index
    %swap3A_666 = arith.constant 0 : index
    %swap3A_667 = vector.load %arg10[%swap3A_665, %swap3A_666] : memref<64x1024xf32, #tpu.memory_space<vmem>>, vector<1x1024xf32>
    tpu.vector_store %arg10[%swap3A_665, %swap3A_666], %get3A_664 {strides = array<i32>} : memref<64x1024xf32, #tpu.memory_space<vmem>>, vector<1x1024xf32>,
    %mul3A_668 = arith.constant 2 : i32
    %mul3A_669 = arith.muli %arg0, %mul3A_668 : i32
    %mul3A_670 = arith.constant 32 : i32
    %mul3A_671 = arith.muli %mul3A_669, %mul3A_670 : i32
    %add3A_672 = arith.constant 48 : i32
    %add3A_673 = arith.addi %mul3A_671, %add3A_672 : i32
    %get3A_674 = arith.index_cast %add3A_673 : i32 to index
    %get3A_675 = memref.load %arg2[%get3A_674] : memref<2560xi32, #tpu.memory_space<smem>>
    %get3A_676 = arith.index_cast %get3A_675 : i32 to index
    %get3A_677 = arith.constant 0 : index
    %get3A_678 = vector.load %arg3[%get3A_676, %get3A_677] : memref<256x1024xf32, #tpu.memory_space<vmem>>, vector<1x1024xf32>
    %swap3A_679 = arith.constant 48 : index
    %swap3A_680 = arith.constant 0 : index
    %swap3A_681 = vector.load %arg10[%swap3A_679, %swap3A_680] : memref<64x1024xf32, #tpu.memory_space<vmem>>, vector<1x1024xf32>
    tpu.vector_store %arg10[%swap3A_679, %swap3A_680], %get3A_678 {strides = array<i32>} : memref<64x1024xf32, #tpu.memory_space<vmem>>, vector<1x1024xf32>,
    %mul3A_682 = arith.constant 2 : i32
    %mul3A_683 = arith.muli %arg0, %mul3A_682 : i32
    %mul3A_684 = arith.constant 32 : i32
    %mul3A_685 = arith.muli %mul3A_683, %mul3A_684 : i32
    %add3A_686 = arith.constant 49 : i32
    %add3A_687 = arith.addi %mul3A_685, %add3A_686 : i32
    %get3A_688 = arith.index_cast %add3A_687 : i32 to index
    %get3A_689 = memref.load %arg2[%get3A_688] : memref<2560xi32, #tpu.memory_space<smem>>
    %get3A_690 = arith.index_cast %get3A_689 : i32 to index
    %get3A_691 = arith.constant 0 : index
    %get3A_692 = vector.load %arg3[%get3A_690, %get3A_691] : memref<256x1024xf32, #tpu.memory_space<vmem>>, vector<1x1024xf32>
    %swap3A_693 = arith.constant 49 : index
    %swap3A_694 = arith.constant 0 : index
    %swap3A_695 = vector.load %arg10[%swap3A_693, %swap3A_694] : memref<64x1024xf32, #tpu.memory_space<vmem>>, vector<1x1024xf32>
    tpu.vector_store %arg10[%swap3A_693, %swap3A_694], %get3A_692 {strides = array<i32>} : memref<64x1024xf32, #tpu.memory_space<vmem>>, vector<1x1024xf32>,
    %mul3A_696 = arith.constant 2 : i32
    %mul3A_697 = arith.muli %arg0, %mul3A_696 : i32
    %mul3A_698 = arith.constant 32 : i32
    %mul3A_699 = arith.muli %mul3A_697, %mul3A_698 : i32
    %add3A_700 = arith.constant 50 : i32
    %add3A_701 = arith.addi %mul3A_699, %add3A_700 : i32
    %get3A_702 = arith.index_cast %add3A_701 : i32 to index
    %get3A_703 = memref.load %arg2[%get3A_702] : memref<2560xi32, #tpu.memory_space<smem>>
    %get3A_704 = arith.index_cast %get3A_703 : i32 to index
    %get3A_705 = arith.constant 0 : index
    %get3A_706 = vector.load %arg3[%get3A_704, %get3A_705] : memref<256x1024xf32, #tpu.memory_space<vmem>>, vector<1x1024xf32>
    %swap3A_707 = arith.constant 50 : index
    %swap3A_708 = arith.constant 0 : index
    %swap3A_709 = vector.load %arg10[%swap3A_707, %swap3A_708] : memref<64x1024xf32, #tpu.memory_space<vmem>>, vector<1x1024xf32>
    tpu.vector_store %arg10[%swap3A_707, %swap3A_708], %get3A_706 {strides = array<i32>} : memref<64x1024xf32, #tpu.memory_space<vmem>>, vector<1x1024xf32>,
    %mul3A_710 = arith.constant 2 : i32
    %mul3A_711 = arith.muli %arg0, %mul3A_710 : i32
    %mul3A_712 = arith.constant 32 : i32
    %mul3A_713 = arith.muli %mul3A_711, %mul3A_712 : i32
    %add3A_714 = arith.constant 51 : i32
    %add3A_715 = arith.addi %mul3A_713, %add3A_714 : i32
    %get3A_716 = arith.index_cast %add3A_715 : i32 to index
    %get3A_717 = memref.load %arg2[%get3A_716] : memref<2560xi32, #tpu.memory_space<smem>>
    %get3A_718 = arith.index_cast %get3A_717 : i32 to index
    %get3A_719 = arith.constant 0 : index
    %get3A_720 = vector.load %arg3[%get3A_718, %get3A_719] : memref<256x1024xf32, #tpu.memory_space<vmem>>, vector<1x1024xf32>
    %swap3A_721 = arith.constant 51 : index
    %swap3A_722 = arith.constant 0 : index
    %swap3A_723 = vector.load %arg10[%swap3A_721, %swap3A_722] : memref<64x1024xf32, #tpu.memory_space<vmem>>, vector<1x1024xf32>
    tpu.vector_store %arg10[%swap3A_721, %swap3A_722], %get3A_720 {strides = array<i32>} : memref<64x1024xf32, #tpu.memory_space<vmem>>, vector<1x1024xf32>,
    %mul3A_724 = arith.constant 2 : i32
    %mul3A_725 = arith.muli %arg0, %mul3A_724 : i32
    %mul3A_726 = arith.constant 32 : i32
    %mul3A_727 = arith.muli %mul3A_725, %mul3A_726 : i32
    %add3A_728 = arith.constant 52 : i32
    %add3A_729 = arith.addi %mul3A_727, %add3A_728 : i32
    %get3A_730 = arith.index_cast %add3A_729 : i32 to index
    %get3A_731 = memref.load %arg2[%get3A_730] : memref<2560xi32, #tpu.memory_space<smem>>
    %get3A_732 = arith.index_cast %get3A_731 : i32 to index
    %get3A_733 = arith.constant 0 : index
    %get3A_734 = vector.load %arg3[%get3A_732, %get3A_733] : memref<256x1024xf32, #tpu.memory_space<vmem>>, vector<1x1024xf32>
    %swap3A_735 = arith.constant 52 : index
    %swap3A_736 = arith.constant 0 : index
    %swap3A_737 = vector.load %arg10[%swap3A_735, %swap3A_736] : memref<64x1024xf32, #tpu.memory_space<vmem>>, vector<1x1024xf32>
    tpu.vector_store %arg10[%swap3A_735, %swap3A_736], %get3A_734 {strides = array<i32>} : memref<64x1024xf32, #tpu.memory_space<vmem>>, vector<1x1024xf32>,
    %mul3A_738 = arith.constant 2 : i32
    %mul3A_739 = arith.muli %arg0, %mul3A_738 : i32
    %mul3A_740 = arith.constant 32 : i32
    %mul3A_741 = arith.muli %mul3A_739, %mul3A_740 : i32
    %add3A_742 = arith.constant 53 : i32
    %add3A_743 = arith.addi %mul3A_741, %add3A_742 : i32
    %get3A_744 = arith.index_cast %add3A_743 : i32 to index
    %get3A_745 = memref.load %arg2[%get3A_744] : memref<2560xi32, #tpu.memory_space<smem>>
    %get3A_746 = arith.index_cast %get3A_745 : i32 to index
    %get3A_747 = arith.constant 0 : index
    %get3A_748 = vector.load %arg3[%get3A_746, %get3A_747] : memref<256x1024xf32, #tpu.memory_space<vmem>>, vector<1x1024xf32>
    %swap3A_749 = arith.constant 53 : index
    %swap3A_750 = arith.constant 0 : index
    %swap3A_751 = vector.load %arg10[%swap3A_749, %swap3A_750] : memref<64x1024xf32, #tpu.memory_space<vmem>>, vector<1x1024xf32>
    tpu.vector_store %arg10[%swap3A_749, %swap3A_750], %get3A_748 {strides = array<i32>} : memref<64x1024xf32, #tpu.memory_space<vmem>>, vector<1x1024xf32>,
    %mul3A_752 = arith.constant 2 : i32
    %mul3A_753 = arith.muli %arg0, %mul3A_752 : i32
    %mul3A_754 = arith.constant 32 : i32
    %mul3A_755 = arith.muli %mul3A_753, %mul3A_754 : i32
    %add3A_756 = arith.constant 54 : i32
    %add3A_757 = arith.addi %mul3A_755, %add3A_756 : i32
    %get3A_758 = arith.index_cast %add3A_757 : i32 to index
    %get3A_759 = memref.load %arg2[%get3A_758] : memref<2560xi32, #tpu.memory_space<smem>>
    %get3A_760 = arith.index_cast %get3A_759 : i32 to index
    %get3A_761 = arith.constant 0 : index
    %get3A_762 = vector.load %arg3[%get3A_760, %get3A_761] : memref<256x1024xf32, #tpu.memory_space<vmem>>, vector<1x1024xf32>
    %swap3A_763 = arith.constant 54 : index
    %swap3A_764 = arith.constant 0 : index
    %swap3A_765 = vector.load %arg10[%swap3A_763, %swap3A_764] : memref<64x1024xf32, #tpu.memory_space<vmem>>, vector<1x1024xf32>
    tpu.vector_store %arg10[%swap3A_763, %swap3A_764], %get3A_762 {strides = array<i32>} : memref<64x1024xf32, #tpu.memory_space<vmem>>, vector<1x1024xf32>,
    %mul3A_766 = arith.constant 2 : i32
    %mul3A_767 = arith.muli %arg0, %mul3A_766 : i32
    %mul3A_768 = arith.constant 32 : i32
    %mul3A_769 = arith.muli %mul3A_767, %mul3A_768 : i32
    %add3A_770 = arith.constant 55 : i32
    %add3A_771 = arith.addi %mul3A_769, %add3A_770 : i32
    %get3A_772 = arith.index_cast %add3A_771 : i32 to index
    %get3A_773 = memref.load %arg2[%get3A_772] : memref<2560xi32, #tpu.memory_space<smem>>
    %get3A_774 = arith.index_cast %get3A_773 : i32 to index
    %get3A_775 = arith.constant 0 : index
    %get3A_776 = vector.load %arg3[%get3A_774, %get3A_775] : memref<256x1024xf32, #tpu.memory_space<vmem>>, vector<1x1024xf32>
    %swap3A_777 = arith.constant 55 : index
    %swap3A_778 = arith.constant 0 : index
    %swap3A_779 = vector.load %arg10[%swap3A_777, %swap3A_778] : memref<64x1024xf32, #tpu.memory_space<vmem>>, vector<1x1024xf32>
    tpu.vector_store %arg10[%swap3A_777, %swap3A_778], %get3A_776 {strides = array<i32>} : memref<64x1024xf32, #tpu.memory_space<vmem>>, vector<1x1024xf32>,
    %mul3A_780 = arith.constant 2 : i32
    %mul3A_781 = arith.muli %arg0, %mul3A_780 : i32
    %mul3A_782 = arith.constant 32 : i32
    %mul3A_783 = arith.muli %mul3A_781, %mul3A_782 : i32
    %add3A_784 = arith.constant 56 : i32
    %add3A_785 = arith.addi %mul3A_783, %add3A_784 : i32
    %get3A_786 = arith.index_cast %add3A_785 : i32 to index
    %get3A_787 = memref.load %arg2[%get3A_786] : memref<2560xi32, #tpu.memory_space<smem>>
    %get3A_788 = arith.index_cast %get3A_787 : i32 to index
    %get3A_789 = arith.constant 0 : index
    %get3A_790 = vector.load %arg3[%get3A_788, %get3A_789] : memref<256x1024xf32, #tpu.memory_space<vmem>>, vector<1x1024xf32>
    %swap3A_791 = arith.constant 56 : index
    %swap3A_792 = arith.constant 0 : index
    %swap3A_793 = vector.load %arg10[%swap3A_791, %swap3A_792] : memref<64x1024xf32, #tpu.memory_space<vmem>>, vector<1x1024xf32>
    tpu.vector_store %arg10[%swap3A_791, %swap3A_792], %get3A_790 {strides = array<i32>} : memref<64x1024xf32, #tpu.memory_space<vmem>>, vector<1x1024xf32>,
    %mul3A_794 = arith.constant 2 : i32
    %mul3A_795 = arith.muli %arg0, %mul3A_794 : i32
    %mul3A_796 = arith.constant 32 : i32
    %mul3A_797 = arith.muli %mul3A_795, %mul3A_796 : i32
    %add3A_798 = arith.constant 57 : i32
    %add3A_799 = arith.addi %mul3A_797, %add3A_798 : i32
    %get3A_800 = arith.index_cast %add3A_799 : i32 to index
    %get3A_801 = memref.load %arg2[%get3A_800] : memref<2560xi32, #tpu.memory_space<smem>>
    %get3A_802 = arith.index_cast %get3A_801 : i32 to index
    %get3A_803 = arith.constant 0 : index
    %get3A_804 = vector.load %arg3[%get3A_802, %get3A_803] : memref<256x1024xf32, #tpu.memory_space<vmem>>, vector<1x1024xf32>
    %swap3A_805 = arith.constant 57 : index
    %swap3A_806 = arith.constant 0 : index
    %swap3A_807 = vector.load %arg10[%swap3A_805, %swap3A_806] : memref<64x1024xf32, #tpu.memory_space<vmem>>, vector<1x1024xf32>
    tpu.vector_store %arg10[%swap3A_805, %swap3A_806], %get3A_804 {strides = array<i32>} : memref<64x1024xf32, #tpu.memory_space<vmem>>, vector<1x1024xf32>,
    %mul3A_808 = arith.constant 2 : i32
    %mul3A_809 = arith.muli %arg0, %mul3A_808 : i32
    %mul3A_810 = arith.constant 32 : i32
    %mul3A_811 = arith.muli %mul3A_809, %mul3A_810 : i32
    %add3A_812 = arith.constant 58 : i32
    %add3A_813 = arith.addi %mul3A_811, %add3A_812 : i32
    %get3A_814 = arith.index_cast %add3A_813 : i32 to index
    %get3A_815 = memref.load %arg2[%get3A_814] : memref<2560xi32, #tpu.memory_space<smem>>
    %get3A_816 = arith.index_cast %get3A_815 : i32 to index
    %get3A_817 = arith.constant 0 : index
    %get3A_818 = vector.load %arg3[%get3A_816, %get3A_817] : memref<256x1024xf32, #tpu.memory_space<vmem>>, vector<1x1024xf32>
    %swap3A_819 = arith.constant 58 : index
    %swap3A_820 = arith.constant 0 : index
    %swap3A_821 = vector.load %arg10[%swap3A_819, %swap3A_820] : memref<64x1024xf32, #tpu.memory_space<vmem>>, vector<1x1024xf32>
    tpu.vector_store %arg10[%swap3A_819, %swap3A_820], %get3A_818 {strides = array<i32>} : memref<64x1024xf32, #tpu.memory_space<vmem>>, vector<1x1024xf32>,
    %mul3A_822 = arith.constant 2 : i32
    %mul3A_823 = arith.muli %arg0, %mul3A_822 : i32
    %mul3A_824 = arith.constant 32 : i32
    %mul3A_825 = arith.muli %mul3A_823, %mul3A_824 : i32
    %add3A_826 = arith.constant 59 : i32
    %add3A_827 = arith.addi %mul3A_825, %add3A_826 : i32
    %get3A_828 = arith.index_cast %add3A_827 : i32 to index
    %get3A_829 = memref.load %arg2[%get3A_828] : memref<2560xi32, #tpu.memory_space<smem>>
    %get3A_830 = arith.index_cast %get3A_829 : i32 to index
    %get3A_831 = arith.constant 0 : index
    %get3A_832 = vector.load %arg3[%get3A_830, %get3A_831] : memref<256x1024xf32, #tpu.memory_space<vmem>>, vector<1x1024xf32>
    %swap3A_833 = arith.constant 59 : index
    %swap3A_834 = arith.constant 0 : index
    %swap3A_835 = vector.load %arg10[%swap3A_833, %swap3A_834] : memref<64x1024xf32, #tpu.memory_space<vmem>>, vector<1x1024xf32>
    tpu.vector_store %arg10[%swap3A_833, %swap3A_834], %get3A_832 {strides = array<i32>} : memref<64x1024xf32, #tpu.memory_space<vmem>>, vector<1x1024xf32>,
    %mul3A_836 = arith.constant 2 : i32
    %mul3A_837 = arith.muli %arg0, %mul3A_836 : i32
    %mul3A_838 = arith.constant 32 : i32
    %mul3A_839 = arith.muli %mul3A_837, %mul3A_838 : i32
    %add3A_840 = arith.constant 60 : i32
    %add3A_841 = arith.addi %mul3A_839, %add3A_840 : i32
    %get3A_842 = arith.index_cast %add3A_841 : i32 to index
    %get3A_843 = memref.load %arg2[%get3A_842] : memref<2560xi32, #tpu.memory_space<smem>>
    %get3A_844 = arith.index_cast %get3A_843 : i32 to index
    %get3A_845 = arith.constant 0 : index
    %get3A_846 = vector.load %arg3[%get3A_844, %get3A_845] : memref<256x1024xf32, #tpu.memory_space<vmem>>, vector<1x1024xf32>
    %swap3A_847 = arith.constant 60 : index
    %swap3A_848 = arith.constant 0 : index
    %swap3A_849 = vector.load %arg10[%swap3A_847, %swap3A_848] : memref<64x1024xf32, #tpu.memory_space<vmem>>, vector<1x1024xf32>
    tpu.vector_store %arg10[%swap3A_847, %swap3A_848], %get3A_846 {strides = array<i32>} : memref<64x1024xf32, #tpu.memory_space<vmem>>, vector<1x1024xf32>,
    %mul3A_850 = arith.constant 2 : i32
    %mul3A_851 = arith.muli %arg0, %mul3A_850 : i32
    %mul3A_852 = arith.constant 32 : i32
    %mul3A_853 = arith.muli %mul3A_851, %mul3A_852 : i32
    %add3A_854 = arith.constant 61 : i32
    %add3A_855 = arith.addi %mul3A_853, %add3A_854 : i32
    %get3A_856 = arith.index_cast %add3A_855 : i32 to index
    %get3A_857 = memref.load %arg2[%get3A_856] : memref<2560xi32, #tpu.memory_space<smem>>
    %get3A_858 = arith.index_cast %get3A_857 : i32 to index
    %get3A_859 = arith.constant 0 : index
    %get3A_860 = vector.load %arg3[%get3A_858, %get3A_859] : memref<256x1024xf32, #tpu.memory_space<vmem>>, vector<1x1024xf32>
    %swap3A_861 = arith.constant 61 : index
    %swap3A_862 = arith.constant 0 : index
    %swap3A_863 = vector.load %arg10[%swap3A_861, %swap3A_862] : memref<64x1024xf32, #tpu.memory_space<vmem>>, vector<1x1024xf32>
    tpu.vector_store %arg10[%swap3A_861, %swap3A_862], %get3A_860 {strides = array<i32>} : memref<64x1024xf32, #tpu.memory_space<vmem>>, vector<1x1024xf32>,
    %mul3A_864 = arith.constant 2 : i32
    %mul3A_865 = arith.muli %arg0, %mul3A_864 : i32
    %mul3A_866 = arith.constant 32 : i32
    %mul3A_867 = arith.muli %mul3A_865, %mul3A_866 : i32
    %add3A_868 = arith.constant 62 : i32
    %add3A_869 = arith.addi %mul3A_867, %add3A_868 : i32
    %get3A_870 = arith.index_cast %add3A_869 : i32 to index
    %get3A_871 = memref.load %arg2[%get3A_870] : memref<2560xi32, #tpu.memory_space<smem>>
    %get3A_872 = arith.index_cast %get3A_871 : i32 to index
    %get3A_873 = arith.constant 0 : index
    %get3A_874 = vector.load %arg3[%get3A_872, %get3A_873] : memref<256x1024xf32, #tpu.memory_space<vmem>>, vector<1x1024xf32>
    %swap3A_875 = arith.constant 62 : index
    %swap3A_876 = arith.constant 0 : index
    %swap3A_877 = vector.load %arg10[%swap3A_875, %swap3A_876] : memref<64x1024xf32, #tpu.memory_space<vmem>>, vector<1x1024xf32>
    tpu.vector_store %arg10[%swap3A_875, %swap3A_876], %get3A_874 {strides = array<i32>} : memref<64x1024xf32, #tpu.memory_space<vmem>>, vector<1x1024xf32>,
    %mul3A_878 = arith.constant 2 : i32
    %mul3A_879 = arith.muli %arg0, %mul3A_878 : i32
    %mul3A_880 = arith.constant 32 : i32
    %mul3A_881 = arith.muli %mul3A_879, %mul3A_880 : i32
    %add3A_882 = arith.constant 63 : i32
    %add3A_883 = arith.addi %mul3A_881, %add3A_882 : i32
    %get3A_884 = arith.index_cast %add3A_883 : i32 to index
    %get3A_885 = memref.load %arg2[%get3A_884] : memref<2560xi32, #tpu.memory_space<smem>>
    %get3A_886 = arith.index_cast %get3A_885 : i32 to index
    %get3A_887 = arith.constant 0 : index
    %get3A_888 = vector.load %arg3[%get3A_886, %get3A_887] : memref<256x1024xf32, #tpu.memory_space<vmem>>, vector<1x1024xf32>
    %swap3A_889 = arith.constant 63 : index
    %swap3A_890 = arith.constant 0 : index
    %swap3A_891 = vector.load %arg10[%swap3A_889, %swap3A_890] : memref<64x1024xf32, #tpu.memory_space<vmem>>, vector<1x1024xf32>
    tpu.vector_store %arg10[%swap3A_889, %swap3A_890], %get3A_888 {strides = array<i32>} : memref<64x1024xf32, #tpu.memory_space<vmem>>, vector<1x1024xf32>,
    %get3A_892 = arith.constant 0 : index
    %get3A_893 = arith.constant 0 : index
    %get3A_894 = vector.load %arg10[%get3A_892, %get3A_893] : memref<64x1024xf32, #tpu.memory_space<vmem>>, vector<32x1024xf32>
    %get3A_895 = arith.constant 0 : index
    %get3A_896 = arith.constant 0 : index
    %get3A_897 = arith.constant 0 : index
    %get3A_898 = vector.load %arg5[%get3A_895, %get3A_896, %get3A_897] : memref<1x1024x1024xf32, #tpu.memory_space<vmem>>, vector<1x1024x1024xf32>
    %get3A_899 = vector.shape_cast %get3A_898 : vector<1x1024x1024xf32> to vector<1024x1024xf32>
    %dot_general3A = arith.constant dense<0.000000e+00> : vector<32x1024xf32>
    %dot_general3A_900 = tpu.matmul %get3A_894, %get3A_899, %dot_general3A {dimension_numbers = #tpu.dot_dimension_numbers<[1], [0], [0], [1], [0, 0, 1, 1], [], []>, transpose_lhs_hint = false} : vector<32x1024xf32>, vector<1024x1024xf32>, vector<32x1024xf32> -> vector<32x1024xf32>
    %slice3A = vector.extract_strided_slice %dot_general3A_900 {offsets = [0, 0], sizes = [32, 512], strides = [1, 1]} : vector<32x1024xf32> to vector<32x512xf32>
    %slice3A_901 = vector.extract_strided_slice %dot_general3A_900 {offsets = [0, 512], sizes = [32, 512], strides = [1, 1]} : vector<32x1024xf32> to vector<32x512xf32>
    %mul3A_902 = arith.constant 5.000000e-01 : f32
    %mul3A_903 = vector.broadcast %mul3A_902 : f32 to vector<32x512xf32>
    %mul3A_904 = arith.mulf %mul3A_903, %slice3A : vector<32x512xf32>
    %mul3A_905 = arith.constant 0.707106769 : f32
    %mul3A_906 = vector.broadcast %mul3A_905 : f32 to vector<32x512xf32>
    %mul3A_907 = arith.mulf %slice3A, %mul3A_906 : vector<32x512xf32>
    %erf3A = math.erf %mul3A_907 : vector<32x512xf32>
    %add3A_908 = arith.constant 1.000000e+00 : f32
    %add3A_909 = vector.broadcast %add3A_908 : f32 to vector<32x512xf32>
    %add3A_910 = arith.addf %add3A_909, %erf3A : vector<32x512xf32>
    %mul3A_911 = arith.mulf %mul3A_904, %add3A_910 : vector<32x512xf32>
    %add3A_912 = arith.constant 1.000000e+00 : f32
    %add3A_913 = vector.broadcast %add3A_912 : f32 to vector<32x512xf32>
    %add3A_914 = arith.addf %slice3A_901, %add3A_913 : vector<32x512xf32>
    %mul3A_915 = arith.mulf %mul3A_911, %add3A_914 : vector<32x512xf32>
    %get3A_916 = arith.constant 0 : index
    %get3A_917 = arith.constant 0 : index
    %get3A_918 = vector.load %arg4[%get3A_916, %get3A_917] : memref<64x128xf32, #tpu.memory_space<vmem>>, vector<32x1xf32>
    %mul3A_919 = vector.broadcast %get3A_918 : vector<32x1xf32> to vector<32x512xf32>
    %mul3A_920 = arith.mulf %mul3A_915, %mul3A_919 : vector<32x512xf32>
    %get3A_921 = arith.constant 0 : index
    %get3A_922 = arith.constant 0 : index
    %get3A_923 = arith.constant 0 : index
    %get3A_924 = vector.load %arg6[%get3A_921, %get3A_922, %get3A_923] : memref<1x512x1024xf32, #tpu.memory_space<vmem>>, vector<1x512x1024xf32>
    %get3A_925 = vector.shape_cast %get3A_924 : vector<1x512x1024xf32> to vector<512x1024xf32>
    %dot_general3A_926 = arith.constant dense<0.000000e+00> : vector<32x1024xf32>
    %dot_general3A_927 = tpu.matmul %mul3A_920, %get3A_925, %dot_general3A_926 {dimension_numbers = #tpu.dot_dimension_numbers<[1], [0], [0], [1], [0, 0, 1, 1], [], []>, transpose_lhs_hint = false} : vector<32x512xf32>, vector<512x1024xf32>, vector<32x1024xf32> -> vector<32x1024xf32>
    %swap3A_928 = arith.constant 0 : index
    %swap3A_929 = arith.constant 0 : index
    %swap3A_930 = vector.load %arg9[%swap3A_928, %swap3A_929] : memref<64x1024xf32, #tpu.memory_space<vmem>>, vector<32x1024xf32>
    tpu.vector_store %arg9[%swap3A_928, %swap3A_929], %dot_general3A_927 {strides = array<i32>} : memref<64x1024xf32, #tpu.memory_space<vmem>>, vector<32x1024xf32>,
    %get3A_931 = arith.constant 32 : index
    %get3A_932 = arith.constant 0 : index
    %get3A_933 = vector.load %arg10[%get3A_931, %get3A_932] : memref<64x1024xf32, #tpu.memory_space<vmem>>, vector<32x1024xf32>
    %get3A_934 = arith.constant 0 : index
    %get3A_935 = arith.constant 0 : index
    %get3A_936 = arith.constant 0 : index
    %get3A_937 = vector.load %arg7[%get3A_934, %get3A_935, %get3A_936] : memref<1x1024x1024xf32, #tpu.memory_space<vmem>>, vector<1x1024x1024xf32>
    %get3A_938 = vector.shape_cast %get3A_937 : vector<1x1024x1024xf32> to vector<1024x1024xf32>
    %dot_general3A_939 = arith.constant dense<0.000000e+00> : vector<32x1024xf32>
    %dot_general3A_940 = tpu.matmul %get3A_933, %get3A_938, %dot_general3A_939 {dimension_numbers = #tpu.dot_dimension_numbers<[1], [0], [0], [1], [0, 0, 1, 1], [], []>, transpose_lhs_hint = false} : vector<32x1024xf32>, vector<1024x1024xf32>, vector<32x1024xf32> -> vector<32x1024xf32>
    %slice3A_941 = vector.extract_strided_slice %dot_general3A_940 {offsets = [0, 0], sizes = [32, 512], strides = [1, 1]} : vector<32x1024xf32> to vector<32x512xf32>
    %slice3A_942 = vector.extract_strided_slice %dot_general3A_940 {offsets = [0, 512], sizes = [32, 512], strides = [1, 1]} : vector<32x1024xf32> to vector<32x512xf32>
    %mul3A_943 = arith.constant 5.000000e-01 : f32
    %mul3A_944 = vector.broadcast %mul3A_943 : f32 to vector<32x512xf32>
    %mul3A_945 = arith.mulf %mul3A_944, %slice3A_941 : vector<32x512xf32>
    %mul3A_946 = arith.constant 0.707106769 : f32
    %mul3A_947 = vector.broadcast %mul3A_946 : f32 to vector<32x512xf32>
    %mul3A_948 = arith.mulf %slice3A_941, %mul3A_947 : vector<32x512xf32>
    %erf3A_949 = math.erf %mul3A_948 : vector<32x512xf32>
    %add3A_950 = arith.constant 1.000000e+00 : f32
    %add3A_951 = vector.broadcast %add3A_950 : f32 to vector<32x512xf32>
    %add3A_952 = arith.addf %add3A_951, %erf3A_949 : vector<32x512xf32>
    %mul3A_953 = arith.mulf %mul3A_945, %add3A_952 : vector<32x512xf32>
    %add3A_954 = arith.constant 1.000000e+00 : f32
    %add3A_955 = vector.broadcast %add3A_954 : f32 to vector<32x512xf32>
    %add3A_956 = arith.addf %slice3A_942, %add3A_955 : vector<32x512xf32>
    %mul3A_957 = arith.mulf %mul3A_953, %add3A_956 : vector<32x512xf32>
    %get3A_958 = arith.constant 32 : index
    %get3A_959 = arith.constant 0 : index
    %get3A_960 = vector.load %arg4[%get3A_958, %get3A_959] : memref<64x128xf32, #tpu.memory_space<vmem>>, vector<32x1xf32>
    %mul3A_961 = vector.broadcast %get3A_960 : vector<32x1xf32> to vector<32x512xf32>
    %mul3A_962 = arith.mulf %mul3A_957, %mul3A_961 : vector<32x512xf32>
    %get3A_963 = arith.constant 0 : index
    %get3A_964 = arith.constant 0 : index
    %get3A_965 = arith.constant 0 : index
    %get3A_966 = vector.load %arg8[%get3A_963, %get3A_964, %get3A_965] : memref<1x512x1024xf32, #tpu.memory_space<vmem>>, vector<1x512x1024xf32>
    %get3A_967 = vector.shape_cast %get3A_966 : vector<1x512x1024xf32> to vector<512x1024xf32>
    %dot_general3A_968 = arith.constant dense<0.000000e+00> : vector<32x1024xf32>
    %dot_general3A_969 = tpu.matmul %mul3A_962, %get3A_967, %dot_general3A_968 {dimension_numbers = #tpu.dot_dimension_numbers<[1], [0], [0], [1], [0, 0, 1, 1], [], []>, transpose_lhs_hint = false} : vector<32x512xf32>, vector<512x1024xf32>, vector<32x1024xf32> -> vector<32x1024xf32>
    %swap3A_970 = arith.constant 32 : index
    %swap3A_971 = arith.constant 0 : index
    %swap3A_972 = vector.load %arg9[%swap3A_970, %swap3A_971] : memref<64x1024xf32, #tpu.memory_space<vmem>>, vector<32x1024xf32>
    tpu.vector_store %arg9[%swap3A_970, %swap3A_971], %dot_general3A_969 {strides = array<i32>} : memref<64x1024xf32, #tpu.memory_space<vmem>>, vector<32x1024xf32>,
    return
  }
  func.func @transform_0(%arg0: i32, %arg1: memref<80xi32, #tpu.memory_space<smem>>, %arg2: memref<2560xi32, #tpu.memory_space<smem>>) -> (i32, i32) {
    %c0_i32 = arith.constant 0 : i32
    %c0_i32_0 = arith.constant 0 : i32
    %c0_i32_1 = arith.constant 0 : i32
    return %c0_i32, %c0_i32_0 : i32, i32
  }
  func.func @transform_1(%arg0: i32, %arg1: memref<80xi32, #tpu.memory_space<smem>>, %arg2: memref<2560xi32, #tpu.memory_space<smem>>) -> (i32, i32) {
    %c0_i32 = arith.constant 0 : i32
    %c0_i32_0 = arith.constant 0 : i32
    return %arg0, %c0_i32 : i32, i32
  }
  func.func @transform_2(%arg0: i32, %arg1: memref<80xi32, #tpu.memory_space<smem>>, %arg2: memref<2560xi32, #tpu.memory_space<smem>>) -> (i32, i32, i32) {
    %mul3A = arith.constant 2 : i32
    %mul3A_0 = arith.muli %mul3A, %arg0 : i32
    %get3A = arith.index_cast %mul3A_0 : i32 to index
    %get3A_1 = memref.load %arg1[%get3A] : memref<80xi32, #tpu.memory_space<smem>>
    %c0_i32 = arith.constant 0 : i32
    %c0_i32_2 = arith.constant 0 : i32
    %c0_i32_3 = arith.constant 0 : i32
    return %get3A_1, %c0_i32, %c0_i32_2 : i32, i32, i32
  }
  func.func @transform_3(%arg0: i32, %arg1: memref<80xi32, #tpu.memory_space<smem>>, %arg2: memref<2560xi32, #tpu.memory_space<smem>>) -> (i32, i32, i32) {
    %mul3A = arith.constant 2 : i32
    %mul3A_0 = arith.muli %mul3A, %arg0 : i32
    %get3A = arith.index_cast %mul3A_0 : i32 to index
    %get3A_1 = memref.load %arg1[%get3A] : memref<80xi32, #tpu.memory_space<smem>>
    %c0_i32 = arith.constant 0 : i32
    %c0_i32_2 = arith.constant 0 : i32
    %c0_i32_3 = arith.constant 0 : i32
    return %get3A_1, %c0_i32, %c0_i32_2 : i32, i32, i32
  }
  func.func @transform_4(%arg0: i32, %arg1: memref<80xi32, #tpu.memory_space<smem>>, %arg2: memref<2560xi32, #tpu.memory_space<smem>>) -> (i32, i32, i32) {
    %mul3A = arith.constant 2 : i32
    %mul3A_0 = arith.muli %mul3A, %arg0 : i32
    %add3A = arith.constant 1 : i32
    %add3A_1 = arith.addi %mul3A_0, %add3A : i32
    %get3A = arith.index_cast %add3A_1 : i32 to index
    %get3A_2 = memref.load %arg1[%get3A] : memref<80xi32, #tpu.memory_space<smem>>
    %c0_i32 = arith.constant 0 : i32
    %c0_i32_3 = arith.constant 0 : i32
    %c0_i32_4 = arith.constant 0 : i32
    return %get3A_2, %c0_i32, %c0_i32_3 : i32, i32, i32
  }
  func.func @transform_5(%arg0: i32, %arg1: memref<80xi32, #tpu.memory_space<smem>>, %arg2: memref<2560xi32, #tpu.memory_space<smem>>) -> (i32, i32, i32) {
    %mul3A = arith.constant 2 : i32
    %mul3A_0 = arith.muli %mul3A, %arg0 : i32
    %add3A = arith.constant 1 : i32
    %add3A_1 = arith.addi %mul3A_0, %add3A : i32
    %get3A = arith.index_cast %add3A_1 : i32 to index
    %get3A_2 = memref.load %arg1[%get3A] : memref<80xi32, #tpu.memory_space<smem>>
    %c0_i32 = arith.constant 0 : i32
    %c0_i32_3 = arith.constant 0 : i32
    %c0_i32_4 = arith.constant 0 : i32
    return %get3A_2, %c0_i32, %c0_i32_3 : i32, i32, i32
  }
  func.func @transform_6(%arg0: i32, %arg1: memref<80xi32, #tpu.memory_space<smem>>, %arg2: memref<2560xi32, #tpu.memory_space<smem>>) -> (i32, i32) {
    %c0_i32 = arith.constant 0 : i32
    %c0_i32_0 = arith.constant 0 : i32
    return %arg0, %c0_i32 : i32, i32
  }
}

</mosaic_0001>

<sc_bundles>
// kernel: kernel.5.cloned.1.call-start
scs
__scs_entry_jumppad:
0x0: {  	(pc) =	sbr.rel $0x88, $3  }
0x1: {  	(tag) =	ssettag $0x0;
	lr =	simm.s32 $0x1  }
0x2: {  	[smem:$0x3F9C] =	sst lr;
	_ =	strace $0xD0000000  }
0x3: {  	_ = 	snop  }
0x4: {  	_ = 	snop  }
0x5: {  	_ = 	snop  }
0x6: {  	_ = 	snop  }
0x7: {  	_ = 	snop  }
__scs_overlays_trampoline_lowered:
0x8: {  	[smem:$0x3FAB] =	sst s0  }
0x9: {  	[smem:$0x3FAC] =	sst s1  }
0xa: {  	[smem:$0x3FAD] =	sst s2  }
0xb: {  	[smem:$0x3FAE] =	sst s3  }
0xc: {  	[smem:$0x3FAF] =	sst s4  }
0xd: {  	[smem:$0x3FB0] =	sst s5  }
0xe: {  	[smem:$0x3FB1] =	sst s6  }
0xf: {  	[smem:$0x3FB2] =	sst s7  }
0x10: {  	[smem:$0x3FB3] =	sst s8  }
0x11: {  	[smem:$0x3FB4] =	sst s9;
	s0 =	simm.s32 @!p0 $0x0  }
0x12: {  	s1 =	sld [smem:$0x3F9A];
	s0 =	simm.s32 @p0 $0x1  }
0x13: {  	[smem:$0x3FB5] =	sst s0;
	s0 =	simm.s32 @!p1 $0x0  }
0x14: {  	s2 =	sld [smem:$0x3F99];
	s0 =	simm.s32 @p1 $0x1  }
0x15: {  	[smem:$0x3FB6] =	sst s0;
	s0 =	simm.s32 @!p2 $0x0  }
0x16: {  	s3 =	sld [smem:$0x3FDB];
	s0 =	simm.s32 @p2 $0x1  }
0x17: {  	s4 =	simm.s32 $0x1BF5;
	[smem:$0x3FB8] =	sst s0  }
0x18: {  	s0 =	sld [smem:$0x3F9B];
	_ =	swait.ge [sflag:s4], $0x0  }
0x19: {  	s7 =	sld [smem:$0x3F9C]  }
0x1a: {  	s8 =	sadd.s32 $0xFFFFE003, lr  }
0x1b: {  	s9 =	sadd.s32 $0xFFFFFEF7, lr;
	s5 =	simm.s32 $0xFFFFFFFF;
	p2 =	slt.u32 s8, $0xFFFFF086  }
0x1c: {  	p1 =	slt.u32 s9, $0xF7A;
	s5 =	simm.s32 @!p2 $0x0  }
0x1d: {  	s5 =	simm.s32 @p1 $0x1;
	p0 =	seq.s32 s7, s2  }
0x1e: {  	s7 =	smul.u32 @!p0 $0xF7A, s2;
	p2 =	seq.s32 @!p0 s5, $0x0  }
0x1f: {  	s9 =	smul.u32 $0xF7A, s1;
	s8 =	simm.s32 @!p0 $0x1BF5;
	p2 =	por !p2, p0  }
0x20: {  	[sflag:s8] =	ssyncset.s32 @!p0 $0xFFFFF086;
	s6 =	sadd.s32 @!p0 s3, s7;
	s7 =	simm.s32 @!p0 $0x108  }
0x21: {  	s3 =	sadd.s32 s3, s9;
	s6 =	sadd.s32 @!p0 $0x88, s6;
	s7 =	simm.s32 @p2 $0x1082  }
0x22: {  	[simem:s7], [sflag:s8] =	dma.local @!p0 [hbm:s6], $0xF7A  }
0x23: {  	s9 =	sor.u32 $0xD0000000, s2;
	s6 =	simm.s32 $0x108;
	_ =	swait.ge @!p0 [sflag:s8], $0x0  }
0x24: {  	s3 =	sadd.s32 $0x88, s3;
	s6 =	simm.s32 @!p1 $0x1082;
	[sflag:s4] =	ssyncset.s32 $0xFFFFF086  }
0x25: {  	[simem:s6], [sflag:s4] =	dma.local [hbm:s3], $0xF7A  }
0x26: {  	[smem:$0x3F9C] =	sst s1;
	(tag) =	ssettag s2;
	_ =	strace s9  }
0x27: {  	s1 =	sld [smem:$0x3FAC]  }
0x28: {  	s2 =	sld [smem:$0x3FAD]  }
0x29: {  	s4 =	sld [smem:$0x3FAF]  }
0x2a: {  	p0 =	seq.s32 s5, $0x0;
	s5 =	sld [smem:$0x3FB0]  }
0x2b: {  	s6 =	sld [smem:$0x3FB1]  }
0x2c: {  	s7 =	sld [smem:$0x3FB2]  }
0x2d: {  	s3 =	simm.s32 $0x108;
	s8 =	sld [smem:$0x3FB3]  }
0x2e: {  	s3 =	simm.s32 @!p0 $0x1082;
	s9 =	sld [smem:$0x3FB4]  }
0x2f: {  	lr =	sadd.s32 s0, s3;
	s0 =	sld [smem:$0x3FAB]  }
0x30: {  	s3 =	sld [smem:$0x3FAE]  }
0x31: {  	[smem:$0x3FB7] =	sst s10  }
0x32: {  	s10 =	sld [smem:$0x3FB5];
	_ =	sdelay $0x3  }
0x33: {  	p0 =	seq.s32 s10, $0x1;
	s10 =	sld [smem:$0x3FB7];
	_ =	sdelay $0x3  }
0x34: {  	[smem:$0x3FB7] =	sst s10  }
0x35: {  	s10 =	sld [smem:$0x3FB6];
	_ =	sdelay $0x3  }
0x36: {  	p1 =	seq.s32 s10, $0x1;
	s10 =	sld [smem:$0x3FB7];
	_ =	sdelay $0x3  }
0x37: {  	[smem:$0x3FB7] =	sst s10  }
0x38: {  	s10 =	sld [smem:$0x3FB8]  }
0x39: {  	_ = 	snop;
	(pc) =	sbr.ind lr, $3  }
0x3a: {  	_ = 	snop  }
0x3b: {  	_ = 	snop  }
0x3c: {  	p2 =	seq.s32 s10, $0x1;
	s10 =	sld [smem:$0x3FB7]  }
0x3d: {  	_ =	shalt  }
0x3e: {  	_ =	shalt  }
0x3f: {  	_ =	shalt  }
0x40: {  	_ =	shalt  }
0x41: {  	_ =	shalt  }
0x42: {  	_ =	shalt  }
0x43: {  	_ =	shalt  }
0x44: {  	_ =	shalt  }
0x45: {  	_ =	shalt  }
0x46: {  	_ =	shalt  }
0x47: {  	_ =	shalt  }
0x48: {  	_ =	shalt  }
0x49: {  	_ =	shalt  }
0x4a: {  	_ =	shalt  }
0x4b: {  	_ =	shalt  }
0x4c: {  	_ =	shalt  }
0x4d: {  	_ =	shalt  }
0x4e: {  	_ =	shalt  }
0x4f: {  	_ =	shalt  }
0x50: {  	_ =	shalt  }
0x51: {  	_ =	shalt  }
0x52: {  	_ =	shalt  }
0x53: {  	_ =	shalt  }
0x54: {  	_ =	shalt  }
0x55: {  	_ =	shalt  }
0x56: {  	_ =	shalt  }
0x57: {  	_ =	shalt  }
0x58: {  	_ =	shalt  }
0x59: {  	_ =	shalt  }
0x5a: {  	_ =	shalt  }
0x5b: {  	_ =	shalt  }
0x5c: {  	_ =	shalt  }
0x5d: {  	_ =	shalt  }
0x5e: {  	_ =	shalt  }
0x5f: {  	_ =	shalt  }
0x60: {  	_ =	shalt  }
0x61: {  	_ =	shalt  }
0x62: {  	_ =	shalt  }
0x63: {  	_ =	shalt  }
0x64: {  	_ =	shalt  }
0x65: {  	_ =	shalt  }
0x66: {  	_ =	shalt  }
0x67: {  	_ =	shalt  }
0x68: {  	_ =	shalt  }
0x69: {  	_ =	shalt  }
0x6a: {  	_ =	shalt  }
0x6b: {  	_ =	shalt  }
0x6c: {  	_ =	shalt  }
0x6d: {  	_ =	shalt  }
0x6e: {  	_ =	shalt  }
0x6f: {  	_ =	shalt  }
0x70: {  	_ =	shalt  }
0x71: {  	_ =	shalt  }
0x72: {  	_ =	shalt  }
0x73: {  	_ =	shalt  }
0x74: {  	_ =	shalt  }
0x75: {  	_ =	shalt  }
0x76: {  	_ =	shalt  }
0x77: {  	_ =	shalt  }
0x78: {  	_ =	shalt  }
0x79: {  	_ =	shalt  }
0x7a: {  	_ =	shalt  }
0x7b: {  	_ =	shalt  }
0x7c: {  	_ =	shalt  }
0x7d: {  	_ =	shalt  }
0x7e: {  	_ =	shalt  }
0x7f: {  	_ =	shalt  }
0x80: {  	_ =	shalt  }
0x81: {  	_ =	shalt  }
0x82: {  	_ =	shalt  }
0x83: {  	_ =	shalt  }
0x84: {  	_ =	shalt  }
0x85: {  	_ =	shalt  }
0x86: {  	_ =	shalt  }
0x87: {  	_ =	shalt  }
.Lfunc_end0:
.L_simem_size_0:
called_computation_lowered:
.L_overlay_start_0:
0x88: {  	s2 =	sld [smem:$0x3FD9]  }
0x89: {  	s3 =	sld [smem:$0x3FFE];
	_ =	sdelay $0x1  }
0x8a: {  	s1 =	srdreg.scid  }
0x8b: {  	s0 =	sand.u32 $0x1, s1  }
0x8c: {  	s17 =	sshll.u32 s0, $0xA;
	s2 =	sadd.s32 s3, s2  }
0x8d: {  	s2 =	sadd.s32 s2, s17  }
0x8e: {  	[smem:$0x3FC3] =	sst s2  }
0x8f: {  	_ = 	snop  }
0x90: {  	s2 =	sld [smem:$0x3FD0];
	(tm) =	ssettm $0x1  }
0x91: {  	s18 =	sld [smem:$0x3FFB];
	_ =	sdelay $0x3  }
0x92: {  	_ =	strace s18  }
0x93: {  	s3 =	sld [smem:$0x3FFC];
	_ =	sdelay $0x3  }
0x94: {  	_ =	strace s3  }
0x95: {  	s3 =	sld [smem:$0x3FFD];
	_ =	sdelay $0x3  }
0x96: {  	_ =	strace s3  }
0x97: {  	_ =	strace $0x8FFFFFFF  }
0x98: {  	s19 =	sld [smem:$0x3FDB];
	_ =	sdelay $0x1  }
0x99: {  	s4 =	simm.s32 $_scs_section_size  }
0x9a: {  	s5 =	simm.s32 $_size__tile_overlayer_lowered;
	s6 =	simm.s32 $_tile_overlayer_lowered  }
0x9b: {  	s22 =	simm.s32 $0x1BFF;
	s21 =	sshll.u32 s6, $0x1;
	s3 =	sadd.s32 s4, s19  }
0x9c: {  	s7 =	simm.s32 $0x0;
	s20 =	sshll.u32 s5, $0x1;
	s5 =	sadd.s32 s21, s3  }
0x9d: {  	[timem:s7], [sflag:s22] =	dma.local [hbm:s5], s20  }
0x9e: {  	_ =	swait.ge [sflag:s22], s20  }
0x9f: {  	s4 =	ssub.s32 $0x0, s20;
	[sflag:s22] =	ssyncset.done $0x0  }
0xa0: {  	[sflag:s22] =	ssyncadd.s32 s4;
	_ =	sdelay $0x1  }
0xa1: {  	s23 =	simm.s32 $0x1B8B  }
0xa2: {  	_ =	swait.ge [sflag:s23], $0x1  }
0xa3: {  	[sflag:s23] =	ssyncset.done $0x0  }
0xa4: {  	s25 =	simm.s32 $0x1B8E;
	s24 =	sld [smem:$0x3FFE];
	[sflag:s23] =	ssyncadd.s32 $0xFFFFFFFF  }
0xa5: {  	s26 =	simm.s32 $execute0_lowered;
	[smem:$0x3FD2] =	sst s25  }
0xa6: {  	s5 =	sshll.u32 s26, $0x1;
	_ =	strace $0x80000046;
	[dreg:$0x1] =	wrdreg $0xFFFFFFFF  }
0xa7: {  	s28 =	simm.s32 $_size_execute0_lowered;
	s3 =	sadd.s32 s3, s5;
	[dreg:$0x0] =	wrdreg $0x0  }
0xa8: {  	s5 =	sshll.u32 s28, $0x1;
	[dreg:$0x2] =	wrdreg s3  }
0xa9: {  	[dreg:$0x3] =	wrdreg s5  }
0xaa: {  	[dreg:$0x4] =	wrdreg $0xC0  }
0xab: {  	_ =	task [dreg:s7], $0x5FFFF  }
0xac: {  	[dreg:$0x1] =	wrdreg $0xFFFFFFFF  }
0xad: {  	[dreg:$0x0] =	wrdreg $0x60  }
0xae: {  	[dreg:$0x2] =	wrdreg s24  }
0xaf: {  	[dreg:$0x3] =	wrdreg s2  }
0xb0: {  	[dreg:$0x4] =	wrdreg $0x9  }
0xb1: {  	_ =	task.clear_ibuf [dreg:s7], $0x5FFFF;
	_ =	strace $0x90000046  }
0xb2: {  	s29 =	simm.s32 $0x9;
	_ =	strace $0x80000048  }
0xb3: {  	_ =	swait.ge [sflag:s29], $0x1  }
0xb4: {  	[sflag:s29] =	ssyncadd.s32 $0xFFFFFFFF  }
0xb5: {  	_ =	strace $0x90000048  }
0xb6: {  	_ =	sfence  }
0xb7: {  	s30 =	sld [smem:$0x0];
	_ =	sdelay $0x2  }
0xb8: {  	s31 =	sshll.u32 s1, $0xD;
	s1 =	sshrl.u32 s1, $0x2  }
0xb9: {  	s3 =	sand.u32 $0x4000, s31;
	s1 =	sadd.s32 s1, s30  }
0xba: {  	s0 =	sor.u32 s3, s0;
	s1 =	sshll.u32 s1, $0x11  }
0xbb: {  	s0 =	sor.u32 s1, s0  }
0xbc: {  	s0 =	sadd.s32 $0x8F2B, s0  }
0xbd: {  	[sflag:s0] =	ssyncadd.remote.s32 $0x1  }
0xbe: {  	_ =	sfence.sel $0xFFFF  }
0xbf: {  	[dreg:$0x0] =	wrdreg $0xFFFFFFFF;
	(pc) =	sbr.abs _section_cstart, $3  }
0xc0: {  	[dreg:$0x1] =	wrdreg $0xFFFFFFFF  }
0xc1: {  	_ =	task.clear_ibuf [dreg:s7], $0x2FFFF;
	_ =	strace $0x9FFFFFFF  }
0xc2: {  	(tm) =	ssettm $0x7FFFFFFF  }
0xc3: {  	_ =	shalt  }
tec
execute0_lowered:
.L_overlay_start_1:
0x0: {  	(tag) =	ssettag $0x1  }
0x1: {  	s7 =	rddreg [dreg:$0x0]  }
0x2: {  	s8 =	rddreg [dreg:$0x1]  }
0x3: {  	s3 =	srdreg.scid;
	s1 =	stileid.u32  }
0x4: {  	s2 =	simm.s32 $0x0;
	s11 =	simm.s32 $0x80;
	s12 =	simm.s32 $0x880  }
0x5: {  	s13 =	simm.s32 $0x1080;
	s14 =	simm.s32 $0x1880;
	s15 =	simm.s32 $0x2080  }
0x6: {  	s16 =	simm.s32 $0x2880;
	s17 =	simm.s32 $0x3080;
	s18 =	simm.s32 $0x3880  }
0x7: {  	s19 =	simm.s32 $0x1;
	s20 =	simm.s32 $0x4080;
	s21 =	simm.s32 $0x0  }
0x8: {  	s3 =	sand.u32 $0x1, s3;
	s4 =	sshll.u32 s1, $0x1;
	[smem:$0x7FF] =	sst s2  }
0x9: {  	s5 =	ssub.s32 $0x2, s3;
	s9 =	sor.u32 s3, s4;
	_ =	strace $0x80000047  }
0xa: {  	s3 =	sadd.s32 $0x200, s7;
	s31 =	sshrl.u32 s5, $0x1;
	s6 =	sshll.u32 s9, $0x1  }
0xb: {  	v2 =	vlaneseq.u32;
	s9 =	sshll.u32 s9, $0xA;
	s10 =	ssub.s32 s5, s31;
	s4 =	sadd.s32 s7, s6  }
0xc: {  	vm0 =	vmmov $0xffff;
	v1 =	vshrl.u32 v2, $0x3;
	s5 =	sadd.s32 $0x300, s7;
	s6 =	sadd.s32 $0x400, s7;
	s7 =	sadd.s32 $0x500, s7  }
0xd: {  	v0 =	vand.u32 $0x7, v2;
	v2 =	vor.u32 $0x8, v2;
	v1 =	vmul.u32 $0x8, v1;
	s8 =	sadd.s32 s8, s9;
	s9 =	smax.u32 s10, $0x1;
	s10 =	simm.s32 $0x2  }
.LBB2_1:
0xe: {  	[tilespmem:s2], [sflag:$0x2] =	stream.linear.gather [hbm4b:s4+s2], $0x10, $0x38;
	[tilespmem:$0x6080] =	vst v63  }
0xf: {  	_ =	swait.ge [sflag:s10], $0x10  }
0x10: {  	[sflag:s10] =	ssyncset.done $0x0  }
0x11: {  	[sflag:s10] =	ssyncadd.s32 $0xFFFFFFF0  }
0x12: {  	v3 =	vld [tilespmem:$0x0];
	_ =	sdelay $0x4  }
0x13: {  	v4 =	vshll.u32 v3, $0x3  }
0x14: {  	v3 =	vand.u32 $0x7, v3;
	v4 =	vand.u32 $0xFFFFFFC0, v4  }
0x15: {  	v3 =	vor.u32 v3, v4  }
0x16: {  	v4 =	vperm.xlane v3, v0;
	_ =	sdelay $0x1  }
0x17: {  	v4 =	vadd.s32 v1, v4;
	_ =	sdelay $0x4  }
0x18: {  	[tilespmem:s11], [sflag:$0x1] =	stream.indirect_vreg.gather [hbm4b:s3+s2], $0x80, v4, vm0, $0xb8;
	[tilespmem:$0x6080] =	vst v63  }
0x19: {  	v3 =	vperm.xlane v3, v2  }
0x1a: {  	[tilespmem:s12], [sflag:$0x1] =	stream.indirect_vreg.gather [hbm4b:s5+s2], $0x80, v4, vm0, $0xb8;
	[tilespmem:$0x6080] =	vst v63  }
0x1b: {  	v3 =	vadd.s32 v1, v3  }
0x1c: {  	[tilespmem:s13], [sflag:$0x1] =	stream.indirect_vreg.gather [hbm4b:s6+s2], $0x80, v4, vm0, $0xb8;
	[tilespmem:$0x6080] =	vst v63  }
0x1d: {  	_ = 	snop  }
0x1e: {  	[tilespmem:s14], [sflag:$0x1] =	stream.indirect_vreg.gather [hbm4b:s7+s2], $0x80, v4, vm0, $0xb8;
	[tilespmem:$0x6080] =	vst v63  }
0x1f: {  	_ = 	snop  }
0x20: {  	[tilespmem:s15], [sflag:$0x1] =	stream.indirect_vreg.gather [hbm4b:s3+s2], $0x80, v3, vm0, $0xb8;
	[tilespmem:$0x6080] =	vst v63  }
0x21: {  	_ = 	snop  }
0x22: {  	[tilespmem:s16], [sflag:$0x1] =	stream.indirect_vreg.gather [hbm4b:s5+s2], $0x80, v3, vm0, $0xb8;
	[tilespmem:$0x6080] =	vst v63  }
0x23: {  	_ = 	snop  }
0x24: {  	[tilespmem:s17], [sflag:$0x1] =	stream.indirect_vreg.gather [hbm4b:s6+s2], $0x80, v3, vm0, $0xb8;
	[tilespmem:$0x6080] =	vst v63  }
0x25: {  	_ = 	snop  }
0x26: {  	[tilespmem:s18], [sflag:$0x1] =	stream.indirect_vreg.gather [hbm4b:s7+s2], $0x80, v3, vm0, $0xb8;
	[tilespmem:$0x6080] =	vst v63  }
0x27: {  	_ =	swait.ge [sflag:s19], $0x4000  }
0x28: {  	[sflag:s19] =	ssyncset.done $0x0  }
0x29: {  	s22 =	simm.s32 $0x0;
	[sflag:s19] =	ssyncadd.s32 $0xFFFFC000  }
.LBB2_2:
0x2a: {  	s23 =	sshll.u32 s22, $0x8;
	s24 =	sshll.u32 s22, $0xB  }
0x2b: {  	s24 =	sand.u32 $0x2000, s24;
	s23 =	sand.u32 $0x300, s23  }
0x2c: {  	s0 =	simm.s32 $0x0;
	s23 =	sor.u32 s23, s24  }
0x2d: {  	s29 =	sand.u32 $0x1C00, s0;
	s23 =	sor.u32 $0x80, s23  }
0x2e: {  	s31 =	sand.u32 $0x70, s0;
	s25 =	sadd.s32 s29, s23  }
0x2f: {  	s24 =	sadd.s32 s31, s25  }
0x30: {  	v3 =	vld [tilespmem:s24+$0x80]  }
0x31: {  	v4 =	vld [tilespmem:s24+$0x0];
	_ =	sdelay $0x1  }
0x32: {  	s26 =	sshll.u32 s22, $0x7  }
0x33: {  	s24 =	sand.u32 $0x3FFFFF80, s26  }
0x34: {  	s25 =	simm.s32 $0x10;
	s26 =	simm.s32 $0x80;
	s24 =	sadd.s32 $0x4080, s24  }
0x35: {  	s28 =	sand.u32 $0x70, s25;
	s25 =	sand.u32 $0x1C00, s26;
	s0 =	sadd.s32 s29, s24;
	v3 =	vadd.f32 v3, v4  }
0x36: {  	s30 =	sadd.s32 s25, s23;
	s29 =	simm.s32 $0x20;
	s31 =	sadd.s32 s31, s0  }
.LBB2_3:
0x37: {  	p0 =	sne.s32 s29, $0x3F0;
	s0 =	sadd.s32 s28, s30;
	[tilespmem:s31+$0x0] =	vst v3;
	s31 =	smov.u32 s28  }
0x38: {  	v3 =	vld [tilespmem:s0+$0x80]  }
0x39: {  	v4 =	vld [tilespmem:s0+$0x0];
	_ =	sdelay $0x1  }
.Ltmp0:
0x3a: {  	(pc) =	sbr.rel @p0 .LBB2_3-.Ltmp0, $4  }
0x3b: {  	_ = 	snop  }
0x3c: {  	s26 =	sadd.s32 $0x80, s26  }
0x3d: {  	s28 =	sand.u32 $0x70, s29;
	s0 =	sadd.s32 s25, s24;
	s25 =	sand.u32 $0x1C00, s26;
	v3 =	vadd.f32 v3, v4  }
0x3e: {  	s29 =	sadd.s32 $0x10, s29;
	s30 =	sadd.s32 s25, s23;
	s31 =	sadd.s32 s31, s0  }
0x3f: {  	s0 =	sadd.s32 s28, s30;
	[tilespmem:s31+$0x0] =	vst v3  }
0x40: {  	v3 =	vld [tilespmem:s0+$0x80]  }
0x41: {  	v4 =	vld [tilespmem:s0+$0x0]  }
0x42: {  	s22 =	sadd.s32 $0x1, s22  }
0x43: {  	p0 =	sne.s32 s22, $0x8  }
.Ltmp1:
0x44: {  	_ = 	snop;
	(pc) =	sbr.rel @p0 .LBB2_2-.Ltmp1, $4  }
0x45: {  	_ = 	snop  }
0x46: {  	s31 =	sadd.s32 s25, s24;
	v3 =	vadd.f32 v3, v4  }
0x47: {  	s0 =	sadd.s32 s28, s31  }
0x48: {  	[tilespmem:s0+$0x0] =	vst v3  }
0x49: {  	s21 =	sadd.s32 $0x1, s21  }
0x4a: {  	p0 =	sne.s32 s21, s9  }
.Ltmp2:
0x4b: {  	_ = 	snop;
	(pc) =	sbr.rel @p0 .LBB2_1-.Ltmp2, $4  }
0x4c: {  	[hbm4b:s8+s2] =	stream.linear.scatter [tilespmem:s20], [sflag:$0x2], $0x2000, $0x38;
	[tilespmem:$0x6080] =	vst v63  }
0x4d: {  	_ =	swait.ge [sflag:s10], $0x2000  }
0x4e: {  	[sflag:s10] =	ssyncset.done $0x0  }
0x4f: {  	[sflag:s10] =	ssyncadd.s32 $0xFFFFE000  }
0x50: {  	_ =	sfence.sel $0x180000  }
0x51: {  	[bflag:$0x0] =	sbarrier.arrive $0xFFFF  }
0x52: {  	_ =	strace $0x90000047  }
0x53: {  	[bflag:$0x2] =	sbarrier.arrive $0xFFFF  }
0x54: {  	p0 =	sne.s32 s1, $0x0;
	s0 =	rddreg [dreg:$0x2]  }
0x55: {  	s0 =	sadd.s32 @!p0 $0x100000, s0  }
0x56: {  	[sflag:s0] =	ssyncadd.tile.s32 @!p0 $0x1;
	_ =	shalt  }
.Lfunc_end2:
_tile_overlayer_lowered:
.L_overlay_start_2:
0x57: {  	(tag) =	ssettag $0x2  }
0x58: {  	s0 =	rddreg [dreg:$0x0];
	s2 =	stileid.u32  }
0x59: {  	s1 =	rddreg [dreg:$0x1];
	p0 =	sne.s32 s2, $0x0  }
0x5a: {  	s3 =	rddreg [dreg:$0x2];
	[bflag:$0x3] =	sbarrier.arrive $0xFFFF;
	s2 =	simm.s32 @!p0 $0x1C02  }
0x5b: {  	[timem:s3], [sflag:s2] =	dma.local @!p0 [hbm:s0], s1  }
0x5c: {  	s0 =	simm.s32 @!p0 $0x2  }
0x5d: {  	_ =	swait.ge @!p0 [sflag:s0], s1  }
0x5e: {  	s1 =	ssub.s32 @!p0 $0x0, s1;
	[sflag:s0] =	ssyncset.done @!p0 $0x0  }
0x5f: {  	[sflag:s0] =	ssyncadd.s32 @!p0 s1  }
0x60: {  	[bflag:$0x3] =	sbarrier.arrive $0xFFFF  }
0x61: {  	_ =	shalt  }

</sc_bundles>
